<compile_context>
chip_gen: v7x
topology: tpu7x:2x2x1
jax: 0.10.2.dev20260603
libtpu: 0.0.44.dev20260713+nightly
codegen_flags: <defaults>
</compile_context>

<pallas_src>
import functools

import jax
import jax.numpy as jnp
from jax.experimental import pallas as pl
from jax.experimental.pallas import tpu as pltpu
from jax.experimental.pallas import tpu_sc as plsc

_N = 8
_C = 128
_CB = 64
_CQ = 32


def _route_body(ic_ref, wf0_ref, wf1_ref, wf2_ref, wf3_ref, keep_ref,
                cam_emb_ref, w1t_ref, b1_ref, w2t_ref, b2_ref, wpt_ref,
                ce_ln_ref, pred_ln_ref, cph_ref, idx_ref):
    b = pl.program_id(0)
    ic = ic_ref[0]

    quarters = [
        jnp.max(r[0, 0, :, :, :], axis=(1, 2))[None, :]
        for r in (wf0_ref, wf1_ref, wf2_ref, wf3_ref)
    ]
    pooled = jnp.concatenate(quarters, axis=1)

    h = jax.nn.relu(jnp.dot(pooled, w1t_ref[...],
                            preferred_element_type=jnp.float32) + b1_ref[...])
    h = jax.nn.relu(jnp.dot(h, w2t_ref[...],
                            preferred_element_type=jnp.float32) + b2_ref[...])
    p = jnp.dot(h, wpt_ref[...], preferred_element_type=jnp.float32)

    def _ln(v):
        m = jnp.mean(v, axis=-1, keepdims=True)
        var = jnp.mean((v - m) ** 2, axis=-1, keepdims=True)
        return (v - m) / jnp.sqrt(var + 1e-5)

    pred_ln = _ln(p) / 10.0

    ce = cam_emb_ref[...]
    row_sel = (jax.lax.broadcasted_iota(jnp.int32, (_N, 1), 0) == ic)
    ce_row = jnp.sum(jnp.where(row_sel, ce, 0.0), axis=0)[None, :]
    ce_ln = _ln(ce_row)

    logits = pred_ln + ce_ln
    col = jax.lax.broadcasted_iota(jnp.int32, (1, _N), 1)
    cand = jnp.where(col == ic, 0.0, keep_ref[0, 0, :][None, :])
    masked_exp = jnp.exp(logits) * cand
    y_soft = masked_exp / (jnp.sum(masked_exp, axis=-1, keepdims=True) + 1e-8)

    max_v = jnp.max(y_soft, axis=-1, keepdims=True)
    idx_b = jnp.min(jnp.where(y_soft == max_v, col, _N))
    y_hard = (col == idx_b).astype(jnp.float32)
    cph = y_hard - y_soft + y_soft

    ce_ln_ref[...] = ce_ln.reshape(1, 1, _N)
    pred_ln_ref[...] = pred_ln.reshape(1, 1, _N)
    cph_ref[...] = cph.reshape(1, 1, _N)
    idx_ref[b] = idx_b


def _sc_combine_body(wf_ref, rows_ref, out_ref, rows_s, sems):
    c = jax.lax.axis_index("c")
    pltpu.sync_copy(rows_ref, rows_s)
    copies = []
    for job in range(4):
        j = c * 4 + job
        src = rows_s[j]
        dst = jnp.where(j < 4, 2 * j, 2 * j - 7)
        cp = pltpu.make_async_copy(wf_ref.at[src], out_ref.at[dst],
                                   sems.at[job])
        cp.start()
        copies.append(cp)
    for cp in copies:
        cp.wait()


def kernel(init_cam, world_feat, keep_cams, cam_emb, W1, b1, W2, b2, Wp):
    B, N, C, H, W = world_feat.shape
    ic_arr = jnp.asarray(init_cam, jnp.int32).reshape(1)
    keep_f = keep_cams.astype(jnp.float32).reshape(B, 1, N)

    def _q_spec(q):
        return pl.BlockSpec((1, 1, _CQ, H, W),
                            lambda b, ic, q=q: (b, ic[0], q, 0, 0))

    ce_ln3, pred_ln3, cph3, idx = pl.pallas_call(
        _route_body,
        grid_spec=pltpu.PrefetchScalarGridSpec(
            num_scalar_prefetch=1,
            grid=(B,),
            in_specs=[
                _q_spec(0), _q_spec(1), _q_spec(2), _q_spec(3),
                pl.BlockSpec((1, 1, N), lambda b, ic: (b, 0, 0)),
                pl.BlockSpec((N, N), lambda b, ic: (0, 0)),
                pl.BlockSpec((C, C), lambda b, ic: (0, 0)),
                pl.BlockSpec((1, C), lambda b, ic: (0, 0)),
                pl.BlockSpec((C, C), lambda b, ic: (0, 0)),
                pl.BlockSpec((1, C), lambda b, ic: (0, 0)),
                pl.BlockSpec((C, N), lambda b, ic: (0, 0)),
            ],
            out_specs=[
                pl.BlockSpec((1, 1, N), lambda b, ic: (b, 0, 0)),
                pl.BlockSpec((1, 1, N), lambda b, ic: (b, 0, 0)),
                pl.BlockSpec((1, 1, N), lambda b, ic: (b, 0, 0)),
                pl.BlockSpec(memory_space=pltpu.SMEM),
            ],
        ),
        out_shape=[
            jax.ShapeDtypeStruct((B, 1, N), jnp.float32),
            jax.ShapeDtypeStruct((B, 1, N), jnp.float32),
            jax.ShapeDtypeStruct((B, 1, N), jnp.float32),
            jax.ShapeDtypeStruct((B,), jnp.int32),
        ],
    )(ic_arr, world_feat, world_feat, world_feat, world_feat, keep_f,
      cam_emb, W1.T, b1.reshape(1, C), W2.T, b2.reshape(1, C), Wp.T)

    bidx = jnp.arange(B, dtype=jnp.int32)
    ic_s = jnp.asarray(init_cam, jnp.int32)
    rows = jnp.concatenate(
        [bidx * N + ic_s, bidx * N + idx,
         jnp.zeros((8,), jnp.int32)]).astype(jnp.int32)

    wf2 = world_feat.reshape(B * N, C, H, W)
    out2 = functools.partial(
        pl.kernel,
        out_type=jax.ShapeDtypeStruct((B * 2, C, H, W), jnp.float32),
        mesh=plsc.ScalarSubcoreMesh(axis_name="c", num_cores=2),
        scratch_types=[pltpu.SMEM((16,), jnp.int32),
                       pltpu.SemaphoreType.DMA((4,))],
    )(_sc_combine_body)(wf2, rows)
    out = out2.reshape(B, 2, C, H, W)

    return (out, (ce_ln3.reshape(B, N), pred_ln3.reshape(B, N),
                  cph3.reshape(B, N)))

# --- scband reference (transcript-rebuilt; emitter-appended) ---
"""Pipeline reference for scband-cam-pred-module-70007966924888 (READ-ONLY COPY).

The authoritative reference and input builder live on the scoring server;
editing this copy changes nothing except your own understanding.
"""

import jax, jax.numpy as jnp
import numpy as np


def _layer_norm(x, eps=1e-5):
    mean = x.mean(axis=-1, keepdims=True)
    var = x.var(axis=-1, keepdims=True)
    return (x - mean) / jnp.sqrt(var + eps)


def setup_inputs(seed: int = 0) -> dict:
    key = jax.random.key(seed)
    ks = jax.random.split(key, 8)
    B, N, C, H, W = 4, 8, 128, 90, 160
    world_feat = jax.random.normal(ks[0], (B, N, C, H, W), dtype=jnp.float32)
    keep_cams = jnp.ones((B, N), dtype=bool)
    init_cam = 3
    # learned parameters (sized per init_kwargs: num_cam=8, hidden_dim=128)
    cam_emb = jax.random.normal(ks[1], (N, N), dtype=jnp.float32) * 0.02
    W1 = jax.random.normal(ks[2], (C, C), dtype=jnp.float32) * (1.0 / np.sqrt(C))
    b1 = jnp.zeros((C,), dtype=jnp.float32)
    W2 = jax.random.normal(ks[3], (C, C), dtype=jnp.float32) * (1.0 / np.sqrt(C))
    b2 = jnp.zeros((C,), dtype=jnp.float32)
    Wp = jax.random.normal(ks[4], (N, C), dtype=jnp.float32) * 0.02
    return {"init_cam": init_cam, "world_feat": world_feat, "keep_cams": keep_cams,
            "cam_emb": cam_emb, "W1": W1, "b1": b1, "W2": W2, "b2": b2, "Wp": Wp}


def reference(init_cam, world_feat, keep_cams, cam_emb, W1, b1, W2, b2, Wp):
    B, N, C, H, W = world_feat.shape
    wf_flat = world_feat.reshape(B * N, C, H, W)
    ic0 = jnp.arange(B, dtype=jnp.int32)
    ic1 = jnp.full((B,), init_cam, dtype=jnp.int32)
    # cam_candidate = keep_cams[ic0].scatter(1, ic1, 0)
    cand = keep_cams[ic0].astype(jnp.float32)
    cand = cand.at[jnp.arange(B), ic1].set(0.0)
    # gather the initial camera's feature map
    init_feat = wf_flat[ic0 * N + ic1]  # [B, C, H, W]
    pooled = init_feat.max(axis=(2, 3))  # amax over spatial dims -> [B, C]
    h = jax.nn.relu(pooled @ W1.T + b1)
    h = jax.nn.relu(h @ W2.T + b2)
    cam_pred_ln = _layer_norm(h @ Wp.T) / 10.0  # [B, N]
    cam_emb_ln = _layer_norm(cam_emb[ic1])      # [B, N]
    logits = cam_pred_ln + cam_emb_ln
    # masked softmax
    masked_exp = jnp.exp(logits) * cand
    y_soft = masked_exp / (masked_exp.sum(axis=1, keepdims=True) + 1e-8)
    # softmax_to_hard (straight-through; numerically == one-hot argmax)
    idx = jnp.argmax(y_soft, axis=1)
    y_hard = jax.nn.one_hot(idx, N, dtype=y_soft.dtype)
    cam_prob_hard = y_hard - jax.lax.stop_gradient(y_soft) + y_soft
    # weighted camera selection (memory-bound gather + weighted reduce)
    select_feat = world_feat[ic0] * cam_prob_hard[:, :, None, None, None]  # [B,N,C,H,W]
    out = jnp.stack([init_feat, select_feat.sum(axis=1)], axis=1)  # [B,2,C,H,W]
    return (out, (cam_emb_ln, cam_pred_ln, cam_prob_hard))

if __name__ == "__main__":
    import jax
    _d = setup_inputs()
    print(jax.jit(kernel)(*tuple(_d.values())))

</pallas_src>

<mosaic_0001>
#map = affine_map<(d0) -> (0, 0, 0, 0)>
#map1 = affine_map<(d0) -> (0)>
module attributes {stable_mosaic.version = 14 : i64} {
  func.func @_sc_combine_body(%arg0: i32, %arg1: memref<32x128x90x160xf32, #tpu.memory_space<hbm>>, %arg2: memref<16xi32, #tpu.memory_space<hbm>>, %arg3: memref<8x128x90x160xf32, #tpu.memory_space<hbm>>, %arg4: memref<16xi32, #tpu.memory_space<smem>>, %arg5: memref<4x!tpu.dma_semaphore, #tpu.memory_space<semaphore_mem>>) attributes {dimension_semantics = [#tpu.dimension_semantics<core_parallel>], iteration_bounds = array<i64: 2>, scalar_prefetch = 0 : i64, scratch_operands = 2 : i64, tpu.core_type = #tpu.core_type<sc_scalar_subcore>, window_params = [{transform_indices = #map}, {transform_indices = #map1}, {transform_indices = #map}]} {
    "tpu.region"() ({
      %run_scoped3A = tpu.sem_alloc : memref<!tpu.dma_semaphore, #tpu.memory_space<semaphore_mem>>
      tpu.enqueue_dma source(%arg2 : memref<16xi32, #tpu.memory_space<hbm>>) target(%arg4 : memref<16xi32, #tpu.memory_space<smem>>) target_semaphore(%run_scoped3A : memref<!tpu.dma_semaphore, #tpu.memory_space<semaphore_mem>>)
      tpu.wait_dma2 semaphore(%run_scoped3A : memref<!tpu.dma_semaphore, #tpu.memory_space<semaphore_mem>>) src(%arg2 : memref<16xi32, #tpu.memory_space<hbm>>) dst(%arg4 : memref<16xi32, #tpu.memory_space<smem>>)
      tpu.yield
    }) : () -> ()
    %mul3A = arith.constant 4 : i32
    %mul3A_0 = arith.muli %arg0, %mul3A : i32
    %add3A = arith.constant 0 : i32
    %add3A_1 = arith.addi %mul3A_0, %add3A : i32
    %get3A = arith.index_cast %add3A_1 : i32 to index
    %get3A_2 = memref.load %arg4[%get3A] : memref<16xi32, #tpu.memory_space<smem>>
    %lt3A = arith.constant 4 : i32
    %lt3A_3 = arith.cmpi slt, %add3A_1, %lt3A : i32
    %mul3A_4 = arith.constant 2 : i32
    %mul3A_5 = arith.muli %mul3A_4, %add3A_1 : i32
    %mul3A_6 = arith.constant 2 : i32
    %mul3A_7 = arith.muli %mul3A_6, %add3A_1 : i32
    %sub3A = arith.constant 7 : i32
    %sub3A_8 = arith.subi %mul3A_7, %sub3A : i32
    %select_n3A = arith.select %lt3A_3, %mul3A_5, %sub3A_8 : i32
    %dma_start3A = arith.constant 0 : i32
    %dma_start3A_9 = tpu.memref_slice %arg5[%dma_start3A] : memref<4x!tpu.dma_semaphore, #tpu.memory_space<semaphore_mem>> -> memref<1x!tpu.dma_semaphore, #tpu.memory_space<semaphore_mem>>
    %dma_start3A_10 = tpu.memref_squeeze %dma_start3A_9 : memref<1x!tpu.dma_semaphore, #tpu.memory_space<semaphore_mem>> -> memref<!tpu.dma_semaphore, #tpu.memory_space<semaphore_mem>>
    %dma_start3A_11 = arith.constant 0 : i32
    %dma_start3A_12 = arith.constant 0 : i32
    %dma_start3A_13 = arith.constant 0 : i32
    %dma_start3A_14 = tpu.memref_slice %arg3[%select_n3A, %dma_start3A_11, %dma_start3A_12, %dma_start3A_13] : memref<8x128x90x160xf32, #tpu.memory_space<hbm>> -> memref<1x128x90x160xf32, #tpu.memory_space<hbm>>
    %dma_start3A_15 = tpu.memref_squeeze %dma_start3A_14 : memref<1x128x90x160xf32, #tpu.memory_space<hbm>> -> memref<128x90x160xf32, #tpu.memory_space<hbm>>
    %dma_start3A_16 = arith.constant 0 : i32
    %dma_start3A_17 = arith.constant 0 : i32
    %dma_start3A_18 = arith.constant 0 : i32
    %dma_start3A_19 = tpu.memref_slice %arg1[%get3A_2, %dma_start3A_16, %dma_start3A_17, %dma_start3A_18] : memref<32x128x90x160xf32, #tpu.memory_space<hbm>> -> memref<1x128x90x160xf32, #tpu.memory_space<hbm>>
    %dma_start3A_20 = tpu.memref_squeeze %dma_start3A_19 : memref<1x128x90x160xf32, #tpu.memory_space<hbm>> -> memref<128x90x160xf32, #tpu.memory_space<hbm>>
    tpu.enqueue_dma source(%dma_start3A_20 : memref<128x90x160xf32, #tpu.memory_space<hbm>>) target(%dma_start3A_15 : memref<128x90x160xf32, #tpu.memory_space<hbm>>) target_semaphore(%dma_start3A_10 : memref<!tpu.dma_semaphore, #tpu.memory_space<semaphore_mem>>)
    %mul3A_21 = arith.constant 4 : i32
    %mul3A_22 = arith.muli %arg0, %mul3A_21 : i32
    %add3A_23 = arith.constant 1 : i32
    %add3A_24 = arith.addi %mul3A_22, %add3A_23 : i32
    %get3A_25 = arith.index_cast %add3A_24 : i32 to index
    %get3A_26 = memref.load %arg4[%get3A_25] : memref<16xi32, #tpu.memory_space<smem>>
    %lt3A_27 = arith.constant 4 : i32
    %lt3A_28 = arith.cmpi slt, %add3A_24, %lt3A_27 : i32
    %mul3A_29 = arith.constant 2 : i32
    %mul3A_30 = arith.muli %mul3A_29, %add3A_24 : i32
    %mul3A_31 = arith.constant 2 : i32
    %mul3A_32 = arith.muli %mul3A_31, %add3A_24 : i32
    %sub3A_33 = arith.constant 7 : i32
    %sub3A_34 = arith.subi %mul3A_32, %sub3A_33 : i32
    %select_n3A_35 = arith.select %lt3A_28, %mul3A_30, %sub3A_34 : i32
    %dma_start3A_36 = arith.constant 1 : i32
    %dma_start3A_37 = tpu.memref_slice %arg5[%dma_start3A_36] : memref<4x!tpu.dma_semaphore, #tpu.memory_space<semaphore_mem>> -> memref<1x!tpu.dma_semaphore, #tpu.memory_space<semaphore_mem>>
    %dma_start3A_38 = tpu.memref_squeeze %dma_start3A_37 : memref<1x!tpu.dma_semaphore, #tpu.memory_space<semaphore_mem>> -> memref<!tpu.dma_semaphore, #tpu.memory_space<semaphore_mem>>
    %dma_start3A_39 = arith.constant 0 : i32
    %dma_start3A_40 = arith.constant 0 : i32
    %dma_start3A_41 = arith.constant 0 : i32
    %dma_start3A_42 = tpu.memref_slice %arg3[%select_n3A_35, %dma_start3A_39, %dma_start3A_40, %dma_start3A_41] : memref<8x128x90x160xf32, #tpu.memory_space<hbm>> -> memref<1x128x90x160xf32, #tpu.memory_space<hbm>>
    %dma_start3A_43 = tpu.memref_squeeze %dma_start3A_42 : memref<1x128x90x160xf32, #tpu.memory_space<hbm>> -> memref<128x90x160xf32, #tpu.memory_space<hbm>>
    %dma_start3A_44 = arith.constant 0 : i32
    %dma_start3A_45 = arith.constant 0 : i32
    %dma_start3A_46 = arith.constant 0 : i32
    %dma_start3A_47 = tpu.memref_slice %arg1[%get3A_26, %dma_start3A_44, %dma_start3A_45, %dma_start3A_46] : memref<32x128x90x160xf32, #tpu.memory_space<hbm>> -> memref<1x128x90x160xf32, #tpu.memory_space<hbm>>
    %dma_start3A_48 = tpu.memref_squeeze %dma_start3A_47 : memref<1x128x90x160xf32, #tpu.memory_space<hbm>> -> memref<128x90x160xf32, #tpu.memory_space<hbm>>
    tpu.enqueue_dma source(%dma_start3A_48 : memref<128x90x160xf32, #tpu.memory_space<hbm>>) target(%dma_start3A_43 : memref<128x90x160xf32, #tpu.memory_space<hbm>>) target_semaphore(%dma_start3A_38 : memref<!tpu.dma_semaphore, #tpu.memory_space<semaphore_mem>>)
    %mul3A_49 = arith.constant 4 : i32
    %mul3A_50 = arith.muli %arg0, %mul3A_49 : i32
    %add3A_51 = arith.constant 2 : i32
    %add3A_52 = arith.addi %mul3A_50, %add3A_51 : i32
    %get3A_53 = arith.index_cast %add3A_52 : i32 to index
    %get3A_54 = memref.load %arg4[%get3A_53] : memref<16xi32, #tpu.memory_space<smem>>
    %lt3A_55 = arith.constant 4 : i32
    %lt3A_56 = arith.cmpi slt, %add3A_52, %lt3A_55 : i32
    %mul3A_57 = arith.constant 2 : i32
    %mul3A_58 = arith.muli %mul3A_57, %add3A_52 : i32
    %mul3A_59 = arith.constant 2 : i32
    %mul3A_60 = arith.muli %mul3A_59, %add3A_52 : i32
    %sub3A_61 = arith.constant 7 : i32
    %sub3A_62 = arith.subi %mul3A_60, %sub3A_61 : i32
    %select_n3A_63 = arith.select %lt3A_56, %mul3A_58, %sub3A_62 : i32
    %dma_start3A_64 = arith.constant 2 : i32
    %dma_start3A_65 = tpu.memref_slice %arg5[%dma_start3A_64] : memref<4x!tpu.dma_semaphore, #tpu.memory_space<semaphore_mem>> -> memref<1x!tpu.dma_semaphore, #tpu.memory_space<semaphore_mem>>
    %dma_start3A_66 = tpu.memref_squeeze %dma_start3A_65 : memref<1x!tpu.dma_semaphore, #tpu.memory_space<semaphore_mem>> -> memref<!tpu.dma_semaphore, #tpu.memory_space<semaphore_mem>>
    %dma_start3A_67 = arith.constant 0 : i32
    %dma_start3A_68 = arith.constant 0 : i32
    %dma_start3A_69 = arith.constant 0 : i32
    %dma_start3A_70 = tpu.memref_slice %arg3[%select_n3A_63, %dma_start3A_67, %dma_start3A_68, %dma_start3A_69] : memref<8x128x90x160xf32, #tpu.memory_space<hbm>> -> memref<1x128x90x160xf32, #tpu.memory_space<hbm>>
    %dma_start3A_71 = tpu.memref_squeeze %dma_start3A_70 : memref<1x128x90x160xf32, #tpu.memory_space<hbm>> -> memref<128x90x160xf32, #tpu.memory_space<hbm>>
    %dma_start3A_72 = arith.constant 0 : i32
    %dma_start3A_73 = arith.constant 0 : i32
    %dma_start3A_74 = arith.constant 0 : i32
    %dma_start3A_75 = tpu.memref_slice %arg1[%get3A_54, %dma_start3A_72, %dma_start3A_73, %dma_start3A_74] : memref<32x128x90x160xf32, #tpu.memory_space<hbm>> -> memref<1x128x90x160xf32, #tpu.memory_space<hbm>>
    %dma_start3A_76 = tpu.memref_squeeze %dma_start3A_75 : memref<1x128x90x160xf32, #tpu.memory_space<hbm>> -> memref<128x90x160xf32, #tpu.memory_space<hbm>>
    tpu.enqueue_dma source(%dma_start3A_76 : memref<128x90x160xf32, #tpu.memory_space<hbm>>) target(%dma_start3A_71 : memref<128x90x160xf32, #tpu.memory_space<hbm>>) target_semaphore(%dma_start3A_66 : memref<!tpu.dma_semaphore, #tpu.memory_space<semaphore_mem>>)
    %mul3A_77 = arith.constant 4 : i32
    %mul3A_78 = arith.muli %arg0, %mul3A_77 : i32
    %add3A_79 = arith.constant 3 : i32
    %add3A_80 = arith.addi %mul3A_78, %add3A_79 : i32
    %get3A_81 = arith.index_cast %add3A_80 : i32 to index
    %get3A_82 = memref.load %arg4[%get3A_81] : memref<16xi32, #tpu.memory_space<smem>>
    %lt3A_83 = arith.constant 4 : i32
    %lt3A_84 = arith.cmpi slt, %add3A_80, %lt3A_83 : i32
    %mul3A_85 = arith.constant 2 : i32
    %mul3A_86 = arith.muli %mul3A_85, %add3A_80 : i32
    %mul3A_87 = arith.constant 2 : i32
    %mul3A_88 = arith.muli %mul3A_87, %add3A_80 : i32
    %sub3A_89 = arith.constant 7 : i32
    %sub3A_90 = arith.subi %mul3A_88, %sub3A_89 : i32
    %select_n3A_91 = arith.select %lt3A_84, %mul3A_86, %sub3A_90 : i32
    %dma_start3A_92 = arith.constant 3 : i32
    %dma_start3A_93 = tpu.memref_slice %arg5[%dma_start3A_92] : memref<4x!tpu.dma_semaphore, #tpu.memory_space<semaphore_mem>> -> memref<1x!tpu.dma_semaphore, #tpu.memory_space<semaphore_mem>>
    %dma_start3A_94 = tpu.memref_squeeze %dma_start3A_93 : memref<1x!tpu.dma_semaphore, #tpu.memory_space<semaphore_mem>> -> memref<!tpu.dma_semaphore, #tpu.memory_space<semaphore_mem>>
    %dma_start3A_95 = arith.constant 0 : i32
    %dma_start3A_96 = arith.constant 0 : i32
    %dma_start3A_97 = arith.constant 0 : i32
    %dma_start3A_98 = tpu.memref_slice %arg3[%select_n3A_91, %dma_start3A_95, %dma_start3A_96, %dma_start3A_97] : memref<8x128x90x160xf32, #tpu.memory_space<hbm>> -> memref<1x128x90x160xf32, #tpu.memory_space<hbm>>
    %dma_start3A_99 = tpu.memref_squeeze %dma_start3A_98 : memref<1x128x90x160xf32, #tpu.memory_space<hbm>> -> memref<128x90x160xf32, #tpu.memory_space<hbm>>
    %dma_start3A_100 = arith.constant 0 : i32
    %dma_start3A_101 = arith.constant 0 : i32
    %dma_start3A_102 = arith.constant 0 : i32
    %dma_start3A_103 = tpu.memref_slice %arg1[%get3A_82, %dma_start3A_100, %dma_start3A_101, %dma_start3A_102] : memref<32x128x90x160xf32, #tpu.memory_space<hbm>> -> memref<1x128x90x160xf32, #tpu.memory_space<hbm>>
    %dma_start3A_104 = tpu.memref_squeeze %dma_start3A_103 : memref<1x128x90x160xf32, #tpu.memory_space<hbm>> -> memref<128x90x160xf32, #tpu.memory_space<hbm>>
    tpu.enqueue_dma source(%dma_start3A_104 : memref<128x90x160xf32, #tpu.memory_space<hbm>>) target(%dma_start3A_99 : memref<128x90x160xf32, #tpu.memory_space<hbm>>) target_semaphore(%dma_start3A_94 : memref<!tpu.dma_semaphore, #tpu.memory_space<semaphore_mem>>)
    %dma_wait3A = arith.constant 0 : i32
    %dma_wait3A_105 = tpu.memref_slice %arg5[%dma_wait3A] : memref<4x!tpu.dma_semaphore, #tpu.memory_space<semaphore_mem>> -> memref<1x!tpu.dma_semaphore, #tpu.memory_space<semaphore_mem>>
    %dma_wait3A_106 = tpu.memref_squeeze %dma_wait3A_105 : memref<1x!tpu.dma_semaphore, #tpu.memory_space<semaphore_mem>> -> memref<!tpu.dma_semaphore, #tpu.memory_space<semaphore_mem>>
    %dma_wait3A_107 = arith.constant 0 : i32
    %dma_wait3A_108 = arith.constant 0 : i32
    %dma_wait3A_109 = arith.constant 0 : i32
    %dma_wait3A_110 = tpu.memref_slice %arg3[%select_n3A, %dma_wait3A_107, %dma_wait3A_108, %dma_wait3A_109] : memref<8x128x90x160xf32, #tpu.memory_space<hbm>> -> memref<1x128x90x160xf32, #tpu.memory_space<hbm>>
    %dma_wait3A_111 = tpu.memref_squeeze %dma_wait3A_110 : memref<1x128x90x160xf32, #tpu.memory_space<hbm>> -> memref<128x90x160xf32, #tpu.memory_space<hbm>>
    %dma_wait3A_112 = arith.constant 0 : i32
    %dma_wait3A_113 = arith.constant 0 : i32
    %dma_wait3A_114 = arith.constant 0 : i32
    %dma_wait3A_115 = tpu.memref_slice %arg1[%get3A_2, %dma_wait3A_112, %dma_wait3A_113, %dma_wait3A_114] : memref<32x128x90x160xf32, #tpu.memory_space<hbm>> -> memref<1x128x90x160xf32, #tpu.memory_space<hbm>>
    %dma_wait3A_116 = tpu.memref_squeeze %dma_wait3A_115 : memref<1x128x90x160xf32, #tpu.memory_space<hbm>> -> memref<128x90x160xf32, #tpu.memory_space<hbm>>
    tpu.wait_dma2 semaphore(%dma_wait3A_106 : memref<!tpu.dma_semaphore, #tpu.memory_space<semaphore_mem>>) src(%dma_wait3A_116 : memref<128x90x160xf32, #tpu.memory_space<hbm>>) dst(%dma_wait3A_111 : memref<128x90x160xf32, #tpu.memory_space<hbm>>)
    %dma_wait3A_117 = arith.constant 1 : i32
    %dma_wait3A_118 = tpu.memref_slice %arg5[%dma_wait3A_117] : memref<4x!tpu.dma_semaphore, #tpu.memory_space<semaphore_mem>> -> memref<1x!tpu.dma_semaphore, #tpu.memory_space<semaphore_mem>>
    %dma_wait3A_119 = tpu.memref_squeeze %dma_wait3A_118 : memref<1x!tpu.dma_semaphore, #tpu.memory_space<semaphore_mem>> -> memref<!tpu.dma_semaphore, #tpu.memory_space<semaphore_mem>>
    %dma_wait3A_120 = arith.constant 0 : i32
    %dma_wait3A_121 = arith.constant 0 : i32
    %dma_wait3A_122 = arith.constant 0 : i32
    %dma_wait3A_123 = tpu.memref_slice %arg3[%select_n3A_35, %dma_wait3A_120, %dma_wait3A_121, %dma_wait3A_122] : memref<8x128x90x160xf32, #tpu.memory_space<hbm>> -> memref<1x128x90x160xf32, #tpu.memory_space<hbm>>
    %dma_wait3A_124 = tpu.memref_squeeze %dma_wait3A_123 : memref<1x128x90x160xf32, #tpu.memory_space<hbm>> -> memref<128x90x160xf32, #tpu.memory_space<hbm>>
    %dma_wait3A_125 = arith.constant 0 : i32
    %dma_wait3A_126 = arith.constant 0 : i32
    %dma_wait3A_127 = arith.constant 0 : i32
    %dma_wait3A_128 = tpu.memref_slice %arg1[%get3A_26, %dma_wait3A_125, %dma_wait3A_126, %dma_wait3A_127] : memref<32x128x90x160xf32, #tpu.memory_space<hbm>> -> memref<1x128x90x160xf32, #tpu.memory_space<hbm>>
    %dma_wait3A_129 = tpu.memref_squeeze %dma_wait3A_128 : memref<1x128x90x160xf32, #tpu.memory_space<hbm>> -> memref<128x90x160xf32, #tpu.memory_space<hbm>>
    tpu.wait_dma2 semaphore(%dma_wait3A_119 : memref<!tpu.dma_semaphore, #tpu.memory_space<semaphore_mem>>) src(%dma_wait3A_129 : memref<128x90x160xf32, #tpu.memory_space<hbm>>) dst(%dma_wait3A_124 : memref<128x90x160xf32, #tpu.memory_space<hbm>>)
    %dma_wait3A_130 = arith.constant 2 : i32
    %dma_wait3A_131 = tpu.memref_slice %arg5[%dma_wait3A_130] : memref<4x!tpu.dma_semaphore, #tpu.memory_space<semaphore_mem>> -> memref<1x!tpu.dma_semaphore, #tpu.memory_space<semaphore_mem>>
    %dma_wait3A_132 = tpu.memref_squeeze %dma_wait3A_131 : memref<1x!tpu.dma_semaphore, #tpu.memory_space<semaphore_mem>> -> memref<!tpu.dma_semaphore, #tpu.memory_space<semaphore_mem>>
    %dma_wait3A_133 = arith.constant 0 : i32
    %dma_wait3A_134 = arith.constant 0 : i32
    %dma_wait3A_135 = arith.constant 0 : i32
    %dma_wait3A_136 = tpu.memref_slice %arg3[%select_n3A_63, %dma_wait3A_133, %dma_wait3A_134, %dma_wait3A_135] : memref<8x128x90x160xf32, #tpu.memory_space<hbm>> -> memref<1x128x90x160xf32, #tpu.memory_space<hbm>>
    %dma_wait3A_137 = tpu.memref_squeeze %dma_wait3A_136 : memref<1x128x90x160xf32, #tpu.memory_space<hbm>> -> memref<128x90x160xf32, #tpu.memory_space<hbm>>
    %dma_wait3A_138 = arith.constant 0 : i32
    %dma_wait3A_139 = arith.constant 0 : i32
    %dma_wait3A_140 = arith.constant 0 : i32
    %dma_wait3A_141 = tpu.memref_slice %arg1[%get3A_54, %dma_wait3A_138, %dma_wait3A_139, %dma_wait3A_140] : memref<32x128x90x160xf32, #tpu.memory_space<hbm>> -> memref<1x128x90x160xf32, #tpu.memory_space<hbm>>
    %dma_wait3A_142 = tpu.memref_squeeze %dma_wait3A_141 : memref<1x128x90x160xf32, #tpu.memory_space<hbm>> -> memref<128x90x160xf32, #tpu.memory_space<hbm>>
    tpu.wait_dma2 semaphore(%dma_wait3A_132 : memref<!tpu.dma_semaphore, #tpu.memory_space<semaphore_mem>>) src(%dma_wait3A_142 : memref<128x90x160xf32, #tpu.memory_space<hbm>>) dst(%dma_wait3A_137 : memref<128x90x160xf32, #tpu.memory_space<hbm>>)
    %dma_wait3A_143 = arith.constant 3 : i32
    %dma_wait3A_144 = tpu.memref_slice %arg5[%dma_wait3A_143] : memref<4x!tpu.dma_semaphore, #tpu.memory_space<semaphore_mem>> -> memref<1x!tpu.dma_semaphore, #tpu.memory_space<semaphore_mem>>
    %dma_wait3A_145 = tpu.memref_squeeze %dma_wait3A_144 : memref<1x!tpu.dma_semaphore, #tpu.memory_space<semaphore_mem>> -> memref<!tpu.dma_semaphore, #tpu.memory_space<semaphore_mem>>
    %dma_wait3A_146 = arith.constant 0 : i32
    %dma_wait3A_147 = arith.constant 0 : i32
    %dma_wait3A_148 = arith.constant 0 : i32
    %dma_wait3A_149 = tpu.memref_slice %arg3[%select_n3A_91, %dma_wait3A_146, %dma_wait3A_147, %dma_wait3A_148] : memref<8x128x90x160xf32, #tpu.memory_space<hbm>> -> memref<1x128x90x160xf32, #tpu.memory_space<hbm>>
    %dma_wait3A_150 = tpu.memref_squeeze %dma_wait3A_149 : memref<1x128x90x160xf32, #tpu.memory_space<hbm>> -> memref<128x90x160xf32, #tpu.memory_space<hbm>>
    %dma_wait3A_151 = arith.constant 0 : i32
    %dma_wait3A_152 = arith.constant 0 : i32
    %dma_wait3A_153 = arith.constant 0 : i32
    %dma_wait3A_154 = tpu.memref_slice %arg1[%get3A_82, %dma_wait3A_151, %dma_wait3A_152, %dma_wait3A_153] : memref<32x128x90x160xf32, #tpu.memory_space<hbm>> -> memref<1x128x90x160xf32, #tpu.memory_space<hbm>>
    %dma_wait3A_155 = tpu.memref_squeeze %dma_wait3A_154 : memref<1x128x90x160xf32, #tpu.memory_space<hbm>> -> memref<128x90x160xf32, #tpu.memory_space<hbm>>
    tpu.wait_dma2 semaphore(%dma_wait3A_145 : memref<!tpu.dma_semaphore, #tpu.memory_space<semaphore_mem>>) src(%dma_wait3A_155 : memref<128x90x160xf32, #tpu.memory_space<hbm>>) dst(%dma_wait3A_150 : memref<128x90x160xf32, #tpu.memory_space<hbm>>)
    return
  }
}

module attributes {stable_mosaic.version = 14 : i64} {
  func.func @_route_body(%arg0: i32, %arg1: memref<1xi32, #tpu.memory_space<smem>>, %arg2: memref<1x1x32x90x160xf32, #tpu.memory_space<vmem>>, %arg3: memref<1x1x32x90x160xf32, #tpu.memory_space<vmem>>, %arg4: memref<1x1x32x90x160xf32, #tpu.memory_space<vmem>>, %arg5: memref<1x1x32x90x160xf32, #tpu.memory_space<vmem>>, %arg6: memref<1x1x8xf32, #tpu.memory_space<vmem>>, %arg7: memref<8x8xf32, #tpu.memory_space<vmem>>, %arg8: memref<128x128xf32, #tpu.memory_space<vmem>>, %arg9: memref<1x128xf32, #tpu.memory_space<vmem>>, %arg10: memref<128x128xf32, #tpu.memory_space<vmem>>, %arg11: memref<1x128xf32, #tpu.memory_space<vmem>>, %arg12: memref<128x8xf32, #tpu.memory_space<vmem>>, %arg13: memref<1x1x8xf32, #tpu.memory_space<vmem>>, %arg14: memref<1x1x8xf32, #tpu.memory_space<vmem>>, %arg15: memref<1x1x8xf32, #tpu.memory_space<vmem>>, %arg16: memref<4xi32, #tpu.memory_space<smem>>) attributes {dimension_semantics = [#tpu.dimension_semantics<arbitrary>], iteration_bounds = array<i64: 4>, scalar_prefetch = 1 : i64, scratch_operands = 0 : i64, tpu.core_type = #tpu.core_type<tc>, window_params = [{transform_indices = @transform_0, window_bounds = array<i64: 1, 1, 32, 90, 160>}, {transform_indices = @transform_1, window_bounds = array<i64: 1, 1, 32, 90, 160>}, {transform_indices = @transform_2, window_bounds = array<i64: 1, 1, 32, 90, 160>}, {transform_indices = @transform_3, window_bounds = array<i64: 1, 1, 32, 90, 160>}, {transform_indices = @transform_4, window_bounds = array<i64: 1, 1, 8>}, {pipeline_mode = #tpu.pipeline_mode<synchronous>, transform_indices = @transform_5, window_bounds = array<i64: 8, 8>}, {pipeline_mode = #tpu.pipeline_mode<synchronous>, transform_indices = @transform_6, window_bounds = array<i64: 128, 128>}, {pipeline_mode = #tpu.pipeline_mode<synchronous>, transform_indices = @transform_7, window_bounds = array<i64: 1, 128>}, {pipeline_mode = #tpu.pipeline_mode<synchronous>, transform_indices = @transform_8, window_bounds = array<i64: 128, 128>}, {pipeline_mode = #tpu.pipeline_mode<synchronous>, transform_indices = @transform_9, window_bounds = array<i64: 1, 128>}, {pipeline_mode = #tpu.pipeline_mode<synchronous>, transform_indices = @transform_10, window_bounds = array<i64: 128, 8>}, {transform_indices = @transform_11, window_bounds = array<i64: 1, 1, 8>}, {transform_indices = @transform_12, window_bounds = array<i64: 1, 1, 8>}, {transform_indices = @transform_13, window_bounds = array<i64: 1, 1, 8>}, {transform_indices = @transform_14, window_bounds = array<i64: 4>}]} {
    %get3A = arith.constant 0 : index
    %get3A_0 = memref.load %arg1[%get3A] : memref<1xi32, #tpu.memory_space<smem>>
    %get3A_1 = arith.constant 0 : index
    %get3A_2 = arith.constant 0 : index
    %get3A_3 = arith.constant 0 : index
    %get3A_4 = arith.constant 0 : index
    %get3A_5 = arith.constant 0 : index
    %get3A_6 = vector.load %arg2[%get3A_1, %get3A_2, %get3A_3, %get3A_4, %get3A_5] : memref<1x1x32x90x160xf32, #tpu.memory_space<vmem>>, vector<1x1x32x90x160xf32>
    %get3A_7 = vector.shape_cast %get3A_6 : vector<1x1x32x90x160xf32> to vector<32x90x160xf32>
    %reduce_max3A = arith.constant dense<0xFF800000> : vector<32xf32>
    %reduce_max3A_8 = vector.multi_reduction <maximumf>, %get3A_7, %reduce_max3A [1, 2] : vector<32x90x160xf32> to vector<32xf32>
    %broadcast_in_dim3A = vector.shape_cast %reduce_max3A_8 : vector<32xf32> to vector<1x32xf32>
    %get3A_9 = arith.constant 0 : index
    %get3A_10 = arith.constant 0 : index
    %get3A_11 = arith.constant 0 : index
    %get3A_12 = arith.constant 0 : index
    %get3A_13 = arith.constant 0 : index
    %get3A_14 = vector.load %arg3[%get3A_9, %get3A_10, %get3A_11, %get3A_12, %get3A_13] : memref<1x1x32x90x160xf32, #tpu.memory_space<vmem>>, vector<1x1x32x90x160xf32>
    %get3A_15 = vector.shape_cast %get3A_14 : vector<1x1x32x90x160xf32> to vector<32x90x160xf32>
    %reduce_max3A_16 = arith.constant dense<0xFF800000> : vector<32xf32>
    %reduce_max3A_17 = vector.multi_reduction <maximumf>, %get3A_15, %reduce_max3A_16 [1, 2] : vector<32x90x160xf32> to vector<32xf32>
    %broadcast_in_dim3A_18 = vector.shape_cast %reduce_max3A_17 : vector<32xf32> to vector<1x32xf32>
    %get3A_19 = arith.constant 0 : index
    %get3A_20 = arith.constant 0 : index
    %get3A_21 = arith.constant 0 : index
    %get3A_22 = arith.constant 0 : index
    %get3A_23 = arith.constant 0 : index
    %get3A_24 = vector.load %arg4[%get3A_19, %get3A_20, %get3A_21, %get3A_22, %get3A_23] : memref<1x1x32x90x160xf32, #tpu.memory_space<vmem>>, vector<1x1x32x90x160xf32>
    %get3A_25 = vector.shape_cast %get3A_24 : vector<1x1x32x90x160xf32> to vector<32x90x160xf32>
    %reduce_max3A_26 = arith.constant dense<0xFF800000> : vector<32xf32>
    %reduce_max3A_27 = vector.multi_reduction <maximumf>, %get3A_25, %reduce_max3A_26 [1, 2] : vector<32x90x160xf32> to vector<32xf32>
    %broadcast_in_dim3A_28 = vector.shape_cast %reduce_max3A_27 : vector<32xf32> to vector<1x32xf32>
    %get3A_29 = arith.constant 0 : index
    %get3A_30 = arith.constant 0 : index
    %get3A_31 = arith.constant 0 : index
    %get3A_32 = arith.constant 0 : index
    %get3A_33 = arith.constant 0 : index
    %get3A_34 = vector.load %arg5[%get3A_29, %get3A_30, %get3A_31, %get3A_32, %get3A_33] : memref<1x1x32x90x160xf32, #tpu.memory_space<vmem>>, vector<1x1x32x90x160xf32>
    %get3A_35 = vector.shape_cast %get3A_34 : vector<1x1x32x90x160xf32> to vector<32x90x160xf32>
    %reduce_max3A_36 = arith.constant dense<0xFF800000> : vector<32xf32>
    %reduce_max3A_37 = vector.multi_reduction <maximumf>, %get3A_35, %reduce_max3A_36 [1, 2] : vector<32x90x160xf32> to vector<32xf32>
    %broadcast_in_dim3A_38 = vector.shape_cast %reduce_max3A_37 : vector<32xf32> to vector<1x32xf32>
    %concatenate3A = tpu.concatenate %broadcast_in_dim3A, %broadcast_in_dim3A_18, %broadcast_in_dim3A_28, %broadcast_in_dim3A_38 in 1 : vector<1x32xf32>, vector<1x32xf32>, vector<1x32xf32>, vector<1x32xf32> -> vector<1x128xf32>
    %get3A_39 = arith.constant 0 : index
    %get3A_40 = arith.constant 0 : index
    %get3A_41 = vector.load %arg8[%get3A_39, %get3A_40] : memref<128x128xf32, #tpu.memory_space<vmem>>, vector<128x128xf32>
    %dot_general3A = arith.constant dense<0.000000e+00> : vector<1x128xf32>
    %dot_general3A_42 = tpu.matmul %concatenate3A, %get3A_41, %dot_general3A {dimension_numbers = #tpu.dot_dimension_numbers<[1], [0], [0], [1], [0, 0, 1, 1], [], []>, transpose_lhs_hint = false} : vector<1x128xf32>, vector<128x128xf32>, vector<1x128xf32> -> vector<1x128xf32>
    %get3A_43 = arith.constant 0 : index
    %get3A_44 = arith.constant 0 : index
    %get3A_45 = vector.load %arg9[%get3A_43, %get3A_44] : memref<1x128xf32, #tpu.memory_space<vmem>>, vector<1x128xf32>
    %add3A = arith.addf %dot_general3A_42, %get3A_45 : vector<1x128xf32>
    %max3A = arith.constant 0.000000e+00 : f32
    %max3A_46 = vector.broadcast %max3A : f32 to vector<1x128xf32>
    %max3A_47 = arith.maximumf %add3A, %max3A_46 : vector<1x128xf32>
    %get3A_48 = arith.constant 0 : index
    %get3A_49 = arith.constant 0 : index
    %get3A_50 = vector.load %arg10[%get3A_48, %get3A_49] : memref<128x128xf32, #tpu.memory_space<vmem>>, vector<128x128xf32>
    %dot_general3A_51 = arith.constant dense<0.000000e+00> : vector<1x128xf32>
    %dot_general3A_52 = tpu.matmul %max3A_47, %get3A_50, %dot_general3A_51 {dimension_numbers = #tpu.dot_dimension_numbers<[1], [0], [0], [1], [0, 0, 1, 1], [], []>, transpose_lhs_hint = false} : vector<1x128xf32>, vector<128x128xf32>, vector<1x128xf32> -> vector<1x128xf32>
    %get3A_53 = arith.constant 0 : index
    %get3A_54 = arith.constant 0 : index
    %get3A_55 = vector.load %arg11[%get3A_53, %get3A_54] : memref<1x128xf32, #tpu.memory_space<vmem>>, vector<1x128xf32>
    %add3A_56 = arith.addf %dot_general3A_52, %get3A_55 : vector<1x128xf32>
    %max3A_57 = arith.constant 0.000000e+00 : f32
    %max3A_58 = vector.broadcast %max3A_57 : f32 to vector<1x128xf32>
    %max3A_59 = arith.maximumf %add3A_56, %max3A_58 : vector<1x128xf32>
    %get3A_60 = arith.constant 0 : index
    %get3A_61 = arith.constant 0 : index
    %get3A_62 = vector.load %arg12[%get3A_60, %get3A_61] : memref<128x8xf32, #tpu.memory_space<vmem>>, vector<128x8xf32>
    %dot_general3A_63 = arith.constant dense<0.000000e+00> : vector<1x8xf32>
    %dot_general3A_64 = tpu.matmul %max3A_59, %get3A_62, %dot_general3A_63 {dimension_numbers = #tpu.dot_dimension_numbers<[1], [0], [0], [1], [0, 0, 1, 1], [], []>, transpose_lhs_hint = false} : vector<1x128xf32>, vector<128x8xf32>, vector<1x8xf32> -> vector<1x8xf32>
    %reduce_sum3A = arith.constant dense<0.000000e+00> : vector<1xf32>
    %reduce_sum3A_65 = vector.multi_reduction <add>, %dot_general3A_64, %reduce_sum3A [1] : vector<1x8xf32> to vector<1xf32>
    %broadcast_in_dim3A_66 = vector.shape_cast %reduce_sum3A_65 : vector<1xf32> to vector<1x1xf32>
    %div3A = arith.constant 8.000000e+00 : f32
    %div3A_67 = vector.broadcast %div3A : f32 to vector<1x1xf32>
    %div3A_68 = arith.divf %broadcast_in_dim3A_66, %div3A_67 : vector<1x1xf32>
    %sub3A = vector.broadcast %div3A_68 : vector<1x1xf32> to vector<1x8xf32>
    %sub3A_69 = arith.subf %dot_general3A_64, %sub3A : vector<1x8xf32>
    %integer_pow3A = arith.mulf %sub3A_69, %sub3A_69 : vector<1x8xf32>
    %reduce_sum3A_70 = arith.constant dense<0.000000e+00> : vector<1xf32>
    %reduce_sum3A_71 = vector.multi_reduction <add>, %integer_pow3A, %reduce_sum3A_70 [1] : vector<1x8xf32> to vector<1xf32>
    %broadcast_in_dim3A_72 = vector.shape_cast %reduce_sum3A_71 : vector<1xf32> to vector<1x1xf32>
    %div3A_73 = arith.constant 8.000000e+00 : f32
    %div3A_74 = vector.broadcast %div3A_73 : f32 to vector<1x1xf32>
    %div3A_75 = arith.divf %broadcast_in_dim3A_72, %div3A_74 : vector<1x1xf32>
    %sub3A_76 = vector.broadcast %div3A_68 : vector<1x1xf32> to vector<1x8xf32>
    %sub3A_77 = arith.subf %dot_general3A_64, %sub3A_76 : vector<1x8xf32>
    %add3A_78 = arith.constant 9.99999974E-6 : f32
    %add3A_79 = vector.broadcast %add3A_78 : f32 to vector<1x1xf32>
    %add3A_80 = arith.addf %div3A_75, %add3A_79 : vector<1x1xf32>
    %sqrt3A = math.sqrt %add3A_80 : vector<1x1xf32>
    %div3A_81 = vector.broadcast %sqrt3A : vector<1x1xf32> to vector<1x8xf32>
    %div3A_82 = arith.divf %sub3A_77, %div3A_81 : vector<1x8xf32>
    %div3A_83 = arith.constant 1.000000e+01 : f32
    %div3A_84 = vector.broadcast %div3A_83 : f32 to vector<1x8xf32>
    %div3A_85 = arith.divf %div3A_82, %div3A_84 : vector<1x8xf32>
    %get3A_86 = arith.constant 0 : index
    %get3A_87 = arith.constant 0 : index
    %get3A_88 = vector.load %arg7[%get3A_86, %get3A_87] : memref<8x8xf32, #tpu.memory_space<vmem>>, vector<8x8xf32>
    %iota3A = tpu.iota {dimensions = array<i32: 0>} : vector<8x1xi32>
    %eq3A = vector.broadcast %get3A_0 : i32 to vector<8x1xi32>
    %eq3A_89 = arith.cmpi eq, %iota3A, %eq3A : vector<8x1xi32>
    %jit3A = arith.constant 0.000000e+00 : f32
    %broadcast_in_dim3A_90 = vector.shape_cast %eq3A_89 : vector<8x1xi1> to vector<8x1xi1>
    %broadcast_in_dim3A_91 = vector.broadcast %broadcast_in_dim3A_90 : vector<8x1xi1> to vector<8x8xi1>
    %broadcast_in_dim3A_92 = vector.broadcast %jit3A : f32 to vector<8x8xf32>
    %select_n3A = arith.select %broadcast_in_dim3A_91, %get3A_88, %broadcast_in_dim3A_92 : vector<8x8xi1>, vector<8x8xf32>
    %reduce_sum3A_93 = arith.constant dense<0.000000e+00> : vector<8xf32>
    %reduce_sum3A_94 = vector.multi_reduction <add>, %select_n3A, %reduce_sum3A_93 [0] : vector<8x8xf32> to vector<8xf32>
    %broadcast_in_dim3A_95 = vector.shape_cast %reduce_sum3A_94 : vector<8xf32> to vector<1x8xf32>
    %reduce_sum3A_96 = arith.constant dense<0.000000e+00> : vector<1xf32>
    %reduce_sum3A_97 = vector.multi_reduction <add>, %broadcast_in_dim3A_95, %reduce_sum3A_96 [1] : vector<1x8xf32> to vector<1xf32>
    %broadcast_in_dim3A_98 = vector.shape_cast %reduce_sum3A_97 : vector<1xf32> to vector<1x1xf32>
    %div3A_99 = arith.constant 8.000000e+00 : f32
    %div3A_100 = vector.broadcast %div3A_99 : f32 to vector<1x1xf32>
    %div3A_101 = arith.divf %broadcast_in_dim3A_98, %div3A_100 : vector<1x1xf32>
    %sub3A_102 = vector.broadcast %div3A_101 : vector<1x1xf32> to vector<1x8xf32>
    %sub3A_103 = arith.subf %broadcast_in_dim3A_95, %sub3A_102 : vector<1x8xf32>
    %integer_pow3A_104 = arith.mulf %sub3A_103, %sub3A_103 : vector<1x8xf32>
    %reduce_sum3A_105 = arith.constant dense<0.000000e+00> : vector<1xf32>
    %reduce_sum3A_106 = vector.multi_reduction <add>, %integer_pow3A_104, %reduce_sum3A_105 [1] : vector<1x8xf32> to vector<1xf32>
    %broadcast_in_dim3A_107 = vector.shape_cast %reduce_sum3A_106 : vector<1xf32> to vector<1x1xf32>
    %div3A_108 = arith.constant 8.000000e+00 : f32
    %div3A_109 = vector.broadcast %div3A_108 : f32 to vector<1x1xf32>
    %div3A_110 = arith.divf %broadcast_in_dim3A_107, %div3A_109 : vector<1x1xf32>
    %sub3A_111 = vector.broadcast %div3A_101 : vector<1x1xf32> to vector<1x8xf32>
    %sub3A_112 = arith.subf %broadcast_in_dim3A_95, %sub3A_111 : vector<1x8xf32>
    %add3A_113 = arith.constant 9.99999974E-6 : f32
    %add3A_114 = vector.broadcast %add3A_113 : f32 to vector<1x1xf32>
    %add3A_115 = arith.addf %div3A_110, %add3A_114 : vector<1x1xf32>
    %sqrt3A_116 = math.sqrt %add3A_115 : vector<1x1xf32>
    %div3A_117 = vector.broadcast %sqrt3A_116 : vector<1x1xf32> to vector<1x8xf32>
    %div3A_118 = arith.divf %sub3A_112, %div3A_117 : vector<1x8xf32>
    %add3A_119 = arith.addf %div3A_85, %div3A_118 : vector<1x8xf32>
    %iota3A_120 = tpu.iota {dimensions = array<i32: 1>} : vector<1x8xi32>
    %eq3A_121 = vector.broadcast %get3A_0 : i32 to vector<1x8xi32>
    %eq3A_122 = arith.cmpi eq, %iota3A_120, %eq3A_121 : vector<1x8xi32>
    %get3A_123 = arith.constant 0 : index
    %get3A_124 = arith.constant 0 : index
    %get3A_125 = arith.constant 0 : index
    %get3A_126 = vector.load %arg6[%get3A_123, %get3A_124, %get3A_125] : memref<1x1x8xf32, #tpu.memory_space<vmem>>, vector<1x1x8xf32>
    %get3A_127 = vector.shape_cast %get3A_126 : vector<1x1x8xf32> to vector<8xf32>
    %broadcast_in_dim3A_128 = vector.shape_cast %get3A_127 : vector<8xf32> to vector<1x8xf32>
    %jit3A_129 = arith.constant 0.000000e+00 : f32
    %broadcast_in_dim3A_130 = vector.broadcast %jit3A_129 : f32 to vector<1x8xf32>
    %select_n3A_131 = arith.select %eq3A_122, %broadcast_in_dim3A_130, %broadcast_in_dim3A_128 : vector<1x8xi1>, vector<1x8xf32>
    %exp3A = math.exp %add3A_119 : vector<1x8xf32>
    %mul3A = arith.mulf %exp3A, %select_n3A_131 : vector<1x8xf32>
    %reduce_sum3A_132 = arith.constant dense<0.000000e+00> : vector<1xf32>
    %reduce_sum3A_133 = vector.multi_reduction <add>, %mul3A, %reduce_sum3A_132 [1] : vector<1x8xf32> to vector<1xf32>
    %broadcast_in_dim3A_134 = vector.shape_cast %reduce_sum3A_133 : vector<1xf32> to vector<1x1xf32>
    %add3A_135 = arith.constant 9.99999993E-9 : f32
    %add3A_136 = vector.broadcast %add3A_135 : f32 to vector<1x1xf32>
    %add3A_137 = arith.addf %broadcast_in_dim3A_134, %add3A_136 : vector<1x1xf32>
    %div3A_138 = vector.broadcast %add3A_137 : vector<1x1xf32> to vector<1x8xf32>
    %div3A_139 = arith.divf %mul3A, %div3A_138 : vector<1x8xf32>
    %reduce_max3A_140 = arith.constant dense<0xFF800000> : vector<1xf32>
    %reduce_max3A_141 = vector.multi_reduction <maximumf>, %div3A_139, %reduce_max3A_140 [1] : vector<1x8xf32> to vector<1xf32>
    %broadcast_in_dim3A_142 = vector.shape_cast %reduce_max3A_141 : vector<1xf32> to vector<1x1xf32>
    %eq3A_143 = vector.broadcast %broadcast_in_dim3A_142 : vector<1x1xf32> to vector<1x8xf32>
    %eq3A_144 = arith.cmpf oeq, %div3A_139, %eq3A_143 : vector<1x8xf32>
    %jit3A_145 = arith.constant 8 : i32
    %broadcast_in_dim3A_146 = vector.broadcast %jit3A_145 : i32 to vector<1x8xi32>
    %select_n3A_147 = arith.select %eq3A_144, %iota3A_120, %broadcast_in_dim3A_146 : vector<1x8xi1>, vector<1x8xi32>
    %reduce_min3A = vector.shape_cast %select_n3A_147 : vector<1x8xi32> to vector<1x1x8xi32>
    %reduce_min3A_148 = arith.constant dense<2147483647> : vector<1xi32>
    %reduce_min3A_149 = vector.multi_reduction <minsi>, %reduce_min3A, %reduce_min3A_148 [1, 2] : vector<1x1x8xi32> to vector<1xi32>
    %reduce_min3A_150 = vector.shape_cast %reduce_min3A_149 : vector<1xi32> to vector<1x1x1xi32>
    %reduce_min3A_151 = vector.extract %reduce_min3A_150[0, 0, 0] : i32 from vector<1x1x1xi32>
    %eq3A_152 = vector.broadcast %reduce_min3A_151 : i32 to vector<1x8xi32>
    %eq3A_153 = arith.cmpi eq, %iota3A_120, %eq3A_152 : vector<1x8xi32>
    %convert_element_type3A = arith.extui %eq3A_153 : vector<1x8xi1> to vector<1x8xi32>
    %convert_element_type3A_154 = arith.sitofp %convert_element_type3A : vector<1x8xi32> to vector<1x8xf32>
    %sub3A_155 = arith.subf %convert_element_type3A_154, %div3A_139 : vector<1x8xf32>
    %add3A_156 = arith.addf %sub3A_155, %div3A_139 : vector<1x8xf32>
    %reshape3A = vector.shape_cast %div3A_118 : vector<1x8xf32> to vector<1x1x8xf32>
    %swap3A = arith.constant 0 : index
    %swap3A_157 = arith.constant 0 : index
    %swap3A_158 = arith.constant 0 : index
    %swap3A_159 = vector.load %arg13[%swap3A, %swap3A_157, %swap3A_158] : memref<1x1x8xf32, #tpu.memory_space<vmem>>, vector<1x1x8xf32>
    tpu.vector_store %arg13[%swap3A, %swap3A_157, %swap3A_158], %reshape3A {strides = array<i32>} : memref<1x1x8xf32, #tpu.memory_space<vmem>>, vector<1x1x8xf32>,
    %reshape3A_160 = vector.shape_cast %div3A_85 : vector<1x8xf32> to vector<1x1x8xf32>
    %swap3A_161 = arith.constant 0 : index
    %swap3A_162 = arith.constant 0 : index
    %swap3A_163 = arith.constant 0 : index
    %swap3A_164 = vector.load %arg14[%swap3A_161, %swap3A_162, %swap3A_163] : memref<1x1x8xf32, #tpu.memory_space<vmem>>, vector<1x1x8xf32>
    tpu.vector_store %arg14[%swap3A_161, %swap3A_162, %swap3A_163], %reshape3A_160 {strides = array<i32>} : memref<1x1x8xf32, #tpu.memory_space<vmem>>, vector<1x1x8xf32>,
    %reshape3A_165 = vector.shape_cast %add3A_156 : vector<1x8xf32> to vector<1x1x8xf32>
    %swap3A_166 = arith.constant 0 : index
    %swap3A_167 = arith.constant 0 : index
    %swap3A_168 = arith.constant 0 : index
    %swap3A_169 = vector.load %arg15[%swap3A_166, %swap3A_167, %swap3A_168] : memref<1x1x8xf32, #tpu.memory_space<vmem>>, vector<1x1x8xf32>
    tpu.vector_store %arg15[%swap3A_166, %swap3A_167, %swap3A_168], %reshape3A_165 {strides = array<i32>} : memref<1x1x8xf32, #tpu.memory_space<vmem>>, vector<1x1x8xf32>,
    %swap3A_170 = arith.index_cast %arg0 : i32 to index
    %swap3A_171 = memref.load %arg16[%swap3A_170] : memref<4xi32, #tpu.memory_space<smem>>
    memref.store %reduce_min3A_151, %arg16[%swap3A_170] : memref<4xi32, #tpu.memory_space<smem>>
    return
  }
  func.func @transform_0(%arg0: i32, %arg1: memref<1xi32, #tpu.memory_space<smem>>) -> (i32, i32, i32, i32, i32) {
    %get3A = arith.constant 0 : index
    %get3A_0 = memref.load %arg1[%get3A] : memref<1xi32, #tpu.memory_space<smem>>
    %c0_i32 = arith.constant 0 : i32
    %c0_i32_1 = arith.constant 0 : i32
    %c0_i32_2 = arith.constant 0 : i32
    %c0_i32_3 = arith.constant 0 : i32
    return %arg0, %get3A_0, %c0_i32, %c0_i32_1, %c0_i32_2 : i32, i32, i32, i32, i32
  }
  func.func @transform_1(%arg0: i32, %arg1: memref<1xi32, #tpu.memory_space<smem>>) -> (i32, i32, i32, i32, i32) {
    %get3A = arith.constant 0 : index
    %get3A_0 = memref.load %arg1[%get3A] : memref<1xi32, #tpu.memory_space<smem>>
    %c1_i32 = arith.constant 1 : i32
    %c0_i32 = arith.constant 0 : i32
    %c0_i32_1 = arith.constant 0 : i32
    %c0_i32_2 = arith.constant 0 : i32
    return %arg0, %get3A_0, %c1_i32, %c0_i32, %c0_i32_1 : i32, i32, i32, i32, i32
  }
  func.func @transform_2(%arg0: i32, %arg1: memref<1xi32, #tpu.memory_space<smem>>) -> (i32, i32, i32, i32, i32) {
    %get3A = arith.constant 0 : index
    %get3A_0 = memref.load %arg1[%get3A] : memref<1xi32, #tpu.memory_space<smem>>
    %c2_i32 = arith.constant 2 : i32
    %c0_i32 = arith.constant 0 : i32
    %c0_i32_1 = arith.constant 0 : i32
    %c0_i32_2 = arith.constant 0 : i32
    return %arg0, %get3A_0, %c2_i32, %c0_i32, %c0_i32_1 : i32, i32, i32, i32, i32
  }
  func.func @transform_3(%arg0: i32, %arg1: memref<1xi32, #tpu.memory_space<smem>>) -> (i32, i32, i32, i32, i32) {
    %get3A = arith.constant 0 : index
    %get3A_0 = memref.load %arg1[%get3A] : memref<1xi32, #tpu.memory_space<smem>>
    %c3_i32 = arith.constant 3 : i32
    %c0_i32 = arith.constant 0 : i32
    %c0_i32_1 = arith.constant 0 : i32
    %c0_i32_2 = arith.constant 0 : i32
    return %arg0, %get3A_0, %c3_i32, %c0_i32, %c0_i32_1 : i32, i32, i32, i32, i32
  }
  func.func @transform_4(%arg0: i32, %arg1: memref<1xi32, #tpu.memory_space<smem>>) -> (i32, i32, i32) {
    %c0_i32 = arith.constant 0 : i32
    %c0_i32_0 = arith.constant 0 : i32
    %c0_i32_1 = arith.constant 0 : i32
    return %arg0, %c0_i32, %c0_i32_0 : i32, i32, i32
  }
  func.func @transform_5(%arg0: i32, %arg1: memref<1xi32, #tpu.memory_space<smem>>) -> (i32, i32) {
    %c0_i32 = arith.constant 0 : i32
    %c0_i32_0 = arith.constant 0 : i32
    %c0_i32_1 = arith.constant 0 : i32
    return %c0_i32, %c0_i32_0 : i32, i32
  }
  func.func @transform_6(%arg0: i32, %arg1: memref<1xi32, #tpu.memory_space<smem>>) -> (i32, i32) {
    %c0_i32 = arith.constant 0 : i32
    %c0_i32_0 = arith.constant 0 : i32
    %c0_i32_1 = arith.constant 0 : i32
    return %c0_i32, %c0_i32_0 : i32, i32
  }
  func.func @transform_7(%arg0: i32, %arg1: memref<1xi32, #tpu.memory_space<smem>>) -> (i32, i32) {
    %c0_i32 = arith.constant 0 : i32
    %c0_i32_0 = arith.constant 0 : i32
    %c0_i32_1 = arith.constant 0 : i32
    return %c0_i32, %c0_i32_0 : i32, i32
  }
  func.func @transform_8(%arg0: i32, %arg1: memref<1xi32, #tpu.memory_space<smem>>) -> (i32, i32) {
    %c0_i32 = arith.constant 0 : i32
    %c0_i32_0 = arith.constant 0 : i32
    %c0_i32_1 = arith.constant 0 : i32
    return %c0_i32, %c0_i32_0 : i32, i32
  }
  func.func @transform_9(%arg0: i32, %arg1: memref<1xi32, #tpu.memory_space<smem>>) -> (i32, i32) {
    %c0_i32 = arith.constant 0 : i32
    %c0_i32_0 = arith.constant 0 : i32
    %c0_i32_1 = arith.constant 0 : i32
    return %c0_i32, %c0_i32_0 : i32, i32
  }
  func.func @transform_10(%arg0: i32, %arg1: memref<1xi32, #tpu.memory_space<smem>>) -> (i32, i32) {
    %c0_i32 = arith.constant 0 : i32
    %c0_i32_0 = arith.constant 0 : i32
    %c0_i32_1 = arith.constant 0 : i32
    return %c0_i32, %c0_i32_0 : i32, i32
  }
  func.func @transform_11(%arg0: i32, %arg1: memref<1xi32, #tpu.memory_space<smem>>) -> (i32, i32, i32) {
    %c0_i32 = arith.constant 0 : i32
    %c0_i32_0 = arith.constant 0 : i32
    %c0_i32_1 = arith.constant 0 : i32
    return %arg0, %c0_i32, %c0_i32_0 : i32, i32, i32
  }
  func.func @transform_12(%arg0: i32, %arg1: memref<1xi32, #tpu.memory_space<smem>>) -> (i32, i32, i32) {
    %c0_i32 = arith.constant 0 : i32
    %c0_i32_0 = arith.constant 0 : i32
    %c0_i32_1 = arith.constant 0 : i32
    return %arg0, %c0_i32, %c0_i32_0 : i32, i32, i32
  }
  func.func @transform_13(%arg0: i32, %arg1: memref<1xi32, #tpu.memory_space<smem>>) -> (i32, i32, i32) {
    %c0_i32 = arith.constant 0 : i32
    %c0_i32_0 = arith.constant 0 : i32
    %c0_i32_1 = arith.constant 0 : i32
    return %arg0, %c0_i32, %c0_i32_0 : i32, i32, i32
  }
  func.func @transform_14(%arg0: i32, %arg1: memref<1xi32, #tpu.memory_space<smem>>) -> i32 {
    %c0_i32 = arith.constant 0 : i32
    %c0_i32_0 = arith.constant 0 : i32
    return %c0_i32 : i32
  }
}

</mosaic_0001>

<sc_bundles>
// kernel: kernel.4.cloned.1.call-start
scs
__scs_entry_jumppad:
0x0: {  	(pc) =	sbr.rel $0x88, $3  }
0x1: {  	(tag) =	ssettag $0x0;
	lr =	simm.s32 $0x1  }
0x2: {  	[smem:$0x3F98] =	sst lr;
	_ =	strace $0xD0000000  }
0x3: {  	_ = 	snop  }
0x4: {  	_ = 	snop  }
0x5: {  	_ = 	snop  }
0x6: {  	_ = 	snop  }
0x7: {  	_ = 	snop  }
__scs_overlays_trampoline_lowered:
0x8: {  	[smem:$0x3FA7] =	sst s0  }
0x9: {  	[smem:$0x3FA8] =	sst s1  }
0xa: {  	[smem:$0x3FA9] =	sst s2  }
0xb: {  	[smem:$0x3FAA] =	sst s3  }
0xc: {  	[smem:$0x3FAB] =	sst s4  }
0xd: {  	[smem:$0x3FAC] =	sst s5  }
0xe: {  	[smem:$0x3FAD] =	sst s6  }
0xf: {  	[smem:$0x3FAE] =	sst s7  }
0x10: {  	[smem:$0x3FAF] =	sst s8  }
0x11: {  	[smem:$0x3FB0] =	sst s9;
	s0 =	simm.s32 @!p0 $0x0  }
0x12: {  	s1 =	sld [smem:$0x3F96];
	s0 =	simm.s32 @p0 $0x1  }
0x13: {  	[smem:$0x3FB1] =	sst s0;
	s0 =	simm.s32 @!p1 $0x0  }
0x14: {  	s2 =	sld [smem:$0x3F95];
	s0 =	simm.s32 @p1 $0x1  }
0x15: {  	[smem:$0x3FB2] =	sst s0;
	s0 =	simm.s32 @!p2 $0x0  }
0x16: {  	s3 =	sld [smem:$0x3FDB];
	s0 =	simm.s32 @p2 $0x1  }
0x17: {  	s4 =	simm.s32 $0x1BF5;
	[smem:$0x3FB4] =	sst s0  }
0x18: {  	s0 =	sld [smem:$0x3F97];
	_ =	swait.ge [sflag:s4], $0x0  }
0x19: {  	s7 =	sld [smem:$0x3F98]  }
0x1a: {  	s8 =	sadd.s32 $0xFFFFE003, lr  }
0x1b: {  	s9 =	sadd.s32 $0xFFFFFEF7, lr;
	s5 =	simm.s32 $0xFFFFFFFF;
	p2 =	slt.u32 s8, $0xFFFFF086  }
0x1c: {  	p1 =	slt.u32 s9, $0xF7A;
	s5 =	simm.s32 @!p2 $0x0  }
0x1d: {  	s5 =	simm.s32 @p1 $0x1;
	p0 =	seq.s32 s7, s2  }
0x1e: {  	s7 =	smul.u32 @!p0 $0xF7A, s2;
	p2 =	seq.s32 @!p0 s5, $0x0  }
0x1f: {  	s9 =	smul.u32 $0xF7A, s1;
	s8 =	simm.s32 @!p0 $0x1BF5;
	p2 =	por !p2, p0  }
0x20: {  	[sflag:s8] =	ssyncset.s32 @!p0 $0xFFFFF086;
	s6 =	sadd.s32 @!p0 s3, s7;
	s7 =	simm.s32 @!p0 $0x108  }
0x21: {  	s3 =	sadd.s32 s3, s9;
	s6 =	sadd.s32 @!p0 $0x88, s6;
	s7 =	simm.s32 @p2 $0x1082  }
0x22: {  	[simem:s7], [sflag:s8] =	dma.local @!p0 [hbm:s6], $0xF7A  }
0x23: {  	s9 =	sor.u32 $0xD0000000, s2;
	s6 =	simm.s32 $0x108;
	_ =	swait.ge @!p0 [sflag:s8], $0x0  }
0x24: {  	s3 =	sadd.s32 $0x88, s3;
	s6 =	simm.s32 @!p1 $0x1082;
	[sflag:s4] =	ssyncset.s32 $0xFFFFF086  }
0x25: {  	[simem:s6], [sflag:s4] =	dma.local [hbm:s3], $0xF7A  }
0x26: {  	[smem:$0x3F98] =	sst s1;
	(tag) =	ssettag s2;
	_ =	strace s9  }
0x27: {  	s1 =	sld [smem:$0x3FA8]  }
0x28: {  	s2 =	sld [smem:$0x3FA9]  }
0x29: {  	s4 =	sld [smem:$0x3FAB]  }
0x2a: {  	p0 =	seq.s32 s5, $0x0;
	s5 =	sld [smem:$0x3FAC]  }
0x2b: {  	s6 =	sld [smem:$0x3FAD]  }
0x2c: {  	s7 =	sld [smem:$0x3FAE]  }
0x2d: {  	s3 =	simm.s32 $0x108;
	s8 =	sld [smem:$0x3FAF]  }
0x2e: {  	s3 =	simm.s32 @!p0 $0x1082;
	s9 =	sld [smem:$0x3FB0]  }
0x2f: {  	lr =	sadd.s32 s0, s3;
	s0 =	sld [smem:$0x3FA7]  }
0x30: {  	s3 =	sld [smem:$0x3FAA]  }
0x31: {  	[smem:$0x3FB3] =	sst s10  }
0x32: {  	s10 =	sld [smem:$0x3FB1];
	_ =	sdelay $0x3  }
0x33: {  	p0 =	seq.s32 s10, $0x1;
	s10 =	sld [smem:$0x3FB3];
	_ =	sdelay $0x3  }
0x34: {  	[smem:$0x3FB3] =	sst s10  }
0x35: {  	s10 =	sld [smem:$0x3FB2];
	_ =	sdelay $0x3  }
0x36: {  	p1 =	seq.s32 s10, $0x1;
	s10 =	sld [smem:$0x3FB3];
	_ =	sdelay $0x3  }
0x37: {  	[smem:$0x3FB3] =	sst s10  }
0x38: {  	s10 =	sld [smem:$0x3FB4]  }
0x39: {  	_ = 	snop;
	(pc) =	sbr.ind lr, $3  }
0x3a: {  	_ = 	snop  }
0x3b: {  	_ = 	snop  }
0x3c: {  	p2 =	seq.s32 s10, $0x1;
	s10 =	sld [smem:$0x3FB3]  }
0x3d: {  	_ =	shalt  }
0x3e: {  	_ =	shalt  }
0x3f: {  	_ =	shalt  }
0x40: {  	_ =	shalt  }
0x41: {  	_ =	shalt  }
0x42: {  	_ =	shalt  }
0x43: {  	_ =	shalt  }
0x44: {  	_ =	shalt  }
0x45: {  	_ =	shalt  }
0x46: {  	_ =	shalt  }
0x47: {  	_ =	shalt  }
0x48: {  	_ =	shalt  }
0x49: {  	_ =	shalt  }
0x4a: {  	_ =	shalt  }
0x4b: {  	_ =	shalt  }
0x4c: {  	_ =	shalt  }
0x4d: {  	_ =	shalt  }
0x4e: {  	_ =	shalt  }
0x4f: {  	_ =	shalt  }
0x50: {  	_ =	shalt  }
0x51: {  	_ =	shalt  }
0x52: {  	_ =	shalt  }
0x53: {  	_ =	shalt  }
0x54: {  	_ =	shalt  }
0x55: {  	_ =	shalt  }
0x56: {  	_ =	shalt  }
0x57: {  	_ =	shalt  }
0x58: {  	_ =	shalt  }
0x59: {  	_ =	shalt  }
0x5a: {  	_ =	shalt  }
0x5b: {  	_ =	shalt  }
0x5c: {  	_ =	shalt  }
0x5d: {  	_ =	shalt  }
0x5e: {  	_ =	shalt  }
0x5f: {  	_ =	shalt  }
0x60: {  	_ =	shalt  }
0x61: {  	_ =	shalt  }
0x62: {  	_ =	shalt  }
0x63: {  	_ =	shalt  }
0x64: {  	_ =	shalt  }
0x65: {  	_ =	shalt  }
0x66: {  	_ =	shalt  }
0x67: {  	_ =	shalt  }
0x68: {  	_ =	shalt  }
0x69: {  	_ =	shalt  }
0x6a: {  	_ =	shalt  }
0x6b: {  	_ =	shalt  }
0x6c: {  	_ =	shalt  }
0x6d: {  	_ =	shalt  }
0x6e: {  	_ =	shalt  }
0x6f: {  	_ =	shalt  }
0x70: {  	_ =	shalt  }
0x71: {  	_ =	shalt  }
0x72: {  	_ =	shalt  }
0x73: {  	_ =	shalt  }
0x74: {  	_ =	shalt  }
0x75: {  	_ =	shalt  }
0x76: {  	_ =	shalt  }
0x77: {  	_ =	shalt  }
0x78: {  	_ =	shalt  }
0x79: {  	_ =	shalt  }
0x7a: {  	_ =	shalt  }
0x7b: {  	_ =	shalt  }
0x7c: {  	_ =	shalt  }
0x7d: {  	_ =	shalt  }
0x7e: {  	_ =	shalt  }
0x7f: {  	_ =	shalt  }
0x80: {  	_ =	shalt  }
0x81: {  	_ =	shalt  }
0x82: {  	_ =	shalt  }
0x83: {  	_ =	shalt  }
0x84: {  	_ =	shalt  }
0x85: {  	_ =	shalt  }
0x86: {  	_ =	shalt  }
0x87: {  	_ =	shalt  }
.Lfunc_end0:
.L_simem_size_0:
called_computation.1_lowered:
.L_overlay_start_0:
0x88: {  	s2 =	sld [smem:$0x3FD9]  }
0x89: {  	s3 =	sld [smem:$0x3FFE];
	_ =	sdelay $0x1  }
0x8a: {  	s1 =	srdreg.scid  }
0x8b: {  	s0 =	sand.u32 $0x1, s1  }
0x8c: {  	s10 =	sshll.u32 s0, $0xA;
	s2 =	sadd.s32 s3, s2  }
0x8d: {  	s2 =	sadd.s32 s2, s10  }
0x8e: {  	[smem:$0x3FBF] =	sst s2  }
0x8f: {  	_ = 	snop  }
0x90: {  	s2 =	sld [smem:$0x3FD0];
	_ =	sdelay $0x2  }
0x91: {  	s11 =	simm.s32 $0xF;
	s4 =	simm.s32 $0x90  }
0x92: {  	[smem:s4], [sflag:s11] =	dma.local [hbm:s2], $0x1  }
0x93: {  	_ =	swait.eq [sflag:s11], $0x1  }
0x94: {  	[sflag:s11] =	ssyncset.done $0x0  }
0x95: {  	s13 =	simm.s32 $0x0;
	s12 =	sld [smem:$0x90];
	[sflag:s11] =	ssyncadd.s32 $0xFFFFFFFF  }
0x96: {  	[smem:$0xF] =	sst s13  }
0x97: {  	(tm) =	ssettm $0x1  }
0x98: {  	s14 =	sld [smem:$0x3FFB];
	_ =	sdelay $0x3  }
0x99: {  	_ =	strace s14  }
0x9a: {  	s3 =	sld [smem:$0x3FFC];
	_ =	sdelay $0x3  }
0x9b: {  	_ =	strace s3  }
0x9c: {  	s3 =	sld [smem:$0x3FFD];
	_ =	sdelay $0x3  }
0x9d: {  	_ =	strace s3  }
0x9e: {  	s15 =	simm.s32 $0x1B8B;
	_ =	strace $0x8FFFFFFF  }
0x9f: {  	_ =	swait.ge [sflag:s15], $0x1  }
0xa0: {  	[sflag:s15] =	ssyncset.done $0x0  }
0xa1: {  	s17 =	simm.s32 $0x1B8E;
	[sflag:s15] =	ssyncadd.s32 $0xFFFFFFFF  }
0xa2: {  	s18 =	simm.s32 $0xE;
	[smem:$0x3FD2] =	sst s17  }
0xa3: {  	s5 =	simm.s32 $0x10;
	s16 =	sld [smem:$0x3FFE];
	_ =	strace $0x80000046  }
0xa4: {  	[smem:s5], [sflag:s18] =	dma.local [hbm:s12], $0x10  }
0xa5: {  	_ =	swait.ge [sflag:s18], $0x10  }
0xa6: {  	s19 =	sshll.u32 s0, $0x2;
	[sflag:s18] =	ssyncset.done $0x0  }
0xa7: {  	s20 =	sor.u32 $0x10, s19;
	[sflag:s18] =	ssyncadd.s32 $0xFFFFFFF0  }
0xa8: {  	s4 =	sld [smem:s20+$0x0];
	_ =	sdelay $0x3  }
0xa9: {  	s6 =	simm.s32 $0x60000;
	p0 =	seq.s32 s0, $0x1;
	s4 =	smul.u32 $0x300000, s4  }
0xaa: {  	s7 =	simm.s32 $0xA;
	s6 =	simm.s32 @!p0 $0x0  }
0xab: {  	s21 =	sadd.s32 $0x2C00, s16;
	s3 =	sadd.s32 $0xC02C00, s16;
	s4 =	sshrl.u32 s4, $0x3  }
0xac: {  	s22 =	sor.u32 $0x11, s19;
	s6 =	sadd.s32 s6, s3;
	s4 =	sadd.s32 s21, s4  }
0xad: {  	[hbm:s6], [sflag:s7] =	dma.local [hbm:s4], $0x60000  }
0xae: {  	s4 =	sld [smem:s22+$0x0];
	_ =	sdelay $0x2  }
0xaf: {  	s23 =	smul.u32 $0x300000, s0  }
0xb0: {  	s4 =	smul.u32 $0x300000, s4  }
0xb1: {  	s6 =	sshrl.u32 s23, $0x3  }
0xb2: {  	s9 =	simm.s32 $0xB;
	s6 =	sadd.s32 s3, s6;
	s4 =	sshrl.u32 s4, $0x3  }
0xb3: {  	s24 =	sor.u32 $0x12, s19;
	s8 =	sadd.s32 $0xC0000, s6;
	s4 =	sadd.s32 s21, s4  }
0xb4: {  	[hbm:s8], [sflag:s9] =	dma.local [hbm:s4], $0x60000  }
0xb5: {  	s4 =	sld [smem:s24+$0x0];
	_ =	sdelay $0x2  }
0xb6: {  	s25 =	smul.u32 $0x60000, s0  }
0xb7: {  	s4 =	smul.u32 $0x300000, s4;
	_ =	sdelay $0x1  }
0xb8: {  	s26 =	simm.s32 $0xC;
	s3 =	sadd.s32 s25, s3;
	s4 =	sshrl.u32 s4, $0x3  }
0xb9: {  	s2 =	sor.u32 $0x13, s19;
	s3 =	sadd.s32 $0x180000, s3;
	s4 =	sadd.s32 s21, s4  }
0xba: {  	[hbm:s3], [sflag:s26] =	dma.local [hbm:s4], $0x60000  }
0xbb: {  	s2 =	sld [smem:s2+$0x0];
	_ =	sdelay $0x3  }
0xbc: {  	s2 =	smul.u32 $0x300000, s2;
	_ =	sdelay $0x1  }
0xbd: {  	s2 =	sshrl.u32 s2, $0x3  }
0xbe: {  	s29 =	simm.s32 $0xD;
	s28 =	sadd.s32 $0x240000, s6;
	s2 =	sadd.s32 s21, s2  }
0xbf: {  	[hbm:s28], [sflag:s29] =	dma.local [hbm:s2], $0x60000  }
0xc0: {  	_ =	swait.ge [sflag:s7], $0x60000  }
0xc1: {  	[sflag:s7] =	ssyncset.done $0x0  }
0xc2: {  	[sflag:s7] =	ssyncadd.s32 $0xFFFA0000;
	_ =	sdelay $0x2  }
0xc3: {  	_ =	swait.ge [sflag:s9], $0x60000  }
0xc4: {  	[sflag:s9] =	ssyncset.done $0x0  }
0xc5: {  	[sflag:s9] =	ssyncadd.s32 $0xFFFA0000;
	_ =	sdelay $0x2  }
0xc6: {  	_ =	swait.ge [sflag:s26], $0x60000  }
0xc7: {  	[sflag:s26] =	ssyncset.done $0x0  }
0xc8: {  	[sflag:s26] =	ssyncadd.s32 $0xFFFA0000;
	_ =	sdelay $0x2  }
0xc9: {  	_ =	swait.ge [sflag:s29], $0x60000  }
0xca: {  	[sflag:s29] =	ssyncset.done $0x0  }
0xcb: {  	[sflag:s29] =	ssyncadd.s32 $0xFFFA0000  }
0xcc: {  	_ =	strace $0x90000046  }
0xcd: {  	_ =	sfence  }
0xce: {  	s30 =	sld [smem:$0x0];
	_ =	sdelay $0x2  }
0xcf: {  	s31 =	sshll.u32 s1, $0xD;
	s1 =	sshrl.u32 s1, $0x2  }
0xd0: {  	s3 =	sand.u32 $0x4000, s31;
	s1 =	sadd.s32 s1, s30  }
0xd1: {  	s0 =	sor.u32 s3, s0;
	s1 =	sshll.u32 s1, $0x11  }
0xd2: {  	s0 =	sor.u32 s1, s0  }
0xd3: {  	s0 =	sadd.s32 $0x8F2B, s0;
	(pc) =	sbr.abs _section_cstart, $3  }
0xd4: {  	[sflag:s0] =	ssyncadd.remote.s32 $0x1  }
0xd5: {  	_ =	strace $0x9FFFFFFF  }
0xd6: {  	(tm) =	ssettm $0x7FFFFFFF  }
0xd7: {  	_ =	shalt  }

// kernel: sparse-core-data-format-call.cloned.1.call-start
scs
called_computation_lowered:
.L_overlay_start_0:
0x0: {  	s2 =	sld [smem:$0x3FD9]  }
0x1: {  	s3 =	sld [smem:$0x3FFE];
	_ =	sdelay $0x1  }
0x2: {  	s1 =	srdreg.scid  }
0x3: {  	s0 =	sand.u32 $0x1, s1  }
0x4: {  	s15 =	sshll.u32 s0, $0xA;
	s2 =	sadd.s32 s3, s2  }
0x5: {  	s2 =	sadd.s32 s2, s15  }
0x6: {  	[smem:$0x3FBF] =	sst s2  }
0x7: {  	_ = 	snop  }
0x8: {  	s2 =	sld [smem:$0x3FD0];
	_ =	sdelay $0x2  }
0x9: {  	s16 =	simm.s32 $0xA;
	s4 =	simm.s32 $0x10  }
0xa: {  	[smem:s4], [sflag:s16] =	dma.local [hbm:s2], $0x1  }
0xb: {  	_ =	swait.eq [sflag:s16], $0x1  }
0xc: {  	[sflag:s16] =	ssyncset.done $0x0  }
0xd: {  	[sflag:s16] =	ssyncadd.s32 $0xFFFFFFFF  }
0xe: {  	s17 =	sld [smem:$0x10];
	(tm) =	ssettm $0x1  }
0xf: {  	s18 =	sld [smem:$0x3FFB];
	_ =	sdelay $0x3  }
0x10: {  	_ =	strace s18  }
0x11: {  	s3 =	sld [smem:$0x3FFC];
	_ =	sdelay $0x3  }
0x12: {  	_ =	strace s3  }
0x13: {  	s3 =	sld [smem:$0x3FFD];
	_ =	sdelay $0x3  }
0x14: {  	_ =	strace s3  }
0x15: {  	_ =	strace $0x8FFFFFFF  }
0x16: {  	s19 =	sld [smem:$0x3FDB];
	_ =	sdelay $0x1  }
0x17: {  	s20 =	simm.s32 $_scs_section_size  }
0x18: {  	s5 =	simm.s32 $_size__tile_overlayer_lowered;
	s6 =	simm.s32 $_tile_overlayer_lowered  }
0x19: {  	s23 =	simm.s32 $0x1BFF;
	s22 =	sshll.u32 s6, $0x1;
	s3 =	sadd.s32 s20, s19  }
0x1a: {  	s7 =	simm.s32 $0x0;
	s21 =	sshll.u32 s5, $0x1;
	s5 =	sadd.s32 s22, s3  }
0x1b: {  	[timem:s7], [sflag:s23] =	dma.local [hbm:s5], s21  }
0x1c: {  	_ =	swait.ge [sflag:s23], s21  }
0x1d: {  	s4 =	ssub.s32 $0x0, s21;
	[sflag:s23] =	ssyncset.done $0x0  }
0x1e: {  	[sflag:s23] =	ssyncadd.s32 s4;
	_ =	sdelay $0x1  }
0x1f: {  	s24 =	simm.s32 $0x1B8B  }
0x20: {  	_ =	swait.ge [sflag:s24], $0x1  }
0x21: {  	[sflag:s24] =	ssyncset.done $0x0  }
0x22: {  	s26 =	simm.s32 $0x1B8E;
	s25 =	sld [smem:$0x3FFE];
	[sflag:s24] =	ssyncadd.s32 $0xFFFFFFFF  }
0x23: {  	s27 =	simm.s32 $execute0_lowered;
	[smem:$0x3FD2] =	sst s26  }
0x24: {  	s5 =	sshll.u32 s27, $0x1;
	_ =	strace $0x80000047;
	[dreg:$0x1] =	wrdreg $0xFFFFFFFF  }
0x25: {  	s28 =	simm.s32 $_size_execute0_lowered;
	s3 =	sadd.s32 s3, s5;
	[dreg:$0x0] =	wrdreg $0x0  }
0x26: {  	s5 =	sshll.u32 s28, $0x1;
	[dreg:$0x2] =	wrdreg s3  }
0x27: {  	[dreg:$0x3] =	wrdreg s5  }
0x28: {  	[dreg:$0x4] =	wrdreg $0xC0  }
0x29: {  	_ =	task [dreg:s7], $0x5FFFF  }
0x2a: {  	[dreg:$0x1] =	wrdreg $0xFFFFFFFF  }
0x2b: {  	[dreg:$0x0] =	wrdreg $0x60  }
0x2c: {  	[dreg:$0x2] =	wrdreg s25  }
0x2d: {  	[dreg:$0x3] =	wrdreg s17  }
0x2e: {  	[dreg:$0x4] =	wrdreg $0x9  }
0x2f: {  	_ =	task.clear_ibuf [dreg:s7], $0x5FFFF;
	_ =	strace $0x90000047  }
0x30: {  	s29 =	simm.s32 $0x9;
	_ =	strace $0x80000049  }
0x31: {  	_ =	swait.ge [sflag:s29], $0x1  }
0x32: {  	[sflag:s29] =	ssyncadd.s32 $0xFFFFFFFF  }
0x33: {  	_ =	strace $0x90000049  }
0x34: {  	_ =	sfence  }
0x35: {  	s30 =	sld [smem:$0x0];
	_ =	sdelay $0x2  }
0x36: {  	s31 =	sshll.u32 s1, $0xD;
	s1 =	sshrl.u32 s1, $0x2  }
0x37: {  	s3 =	sand.u32 $0x4000, s31;
	s1 =	sadd.s32 s1, s30  }
0x38: {  	s0 =	sor.u32 s3, s0;
	s1 =	sshll.u32 s1, $0x11  }
0x39: {  	s0 =	sor.u32 s1, s0  }
0x3a: {  	s0 =	sadd.s32 $0x8F2B, s0  }
0x3b: {  	[sflag:s0] =	ssyncadd.remote.s32 $0x1  }
0x3c: {  	_ =	sfence.sel $0xFFFF  }
0x3d: {  	[dreg:$0x0] =	wrdreg $0xFFFFFFFF;
	(pc) =	sbr.abs _section_cstart, $3  }
0x3e: {  	[dreg:$0x1] =	wrdreg $0xFFFFFFFF  }
0x3f: {  	_ =	task.clear_ibuf [dreg:s7], $0x2FFFF;
	_ =	strace $0x9FFFFFFF  }
0x40: {  	(tm) =	ssettm $0x7FFFFFFF  }
0x41: {  	_ =	shalt  }
tec
execute0_lowered:
.L_overlay_start_1:
0x0: {  	(tag) =	ssettag $0x1  }
0x1: {  	s0 =	stileid.u32;
	s1 =	srdreg.scid  }
0x2: {  	s7 =	rddreg [dreg:$0x0];
	s8 =	simm.s32 $0x2;
	s19 =	simm.s32 $0x0  }
0x3: {  	p0 =	por $0x0, $0x0;
	s1 =	sshll.u32 s1, $0x4;
	s2 =	sshll.u32 s0, $0x1  }
0x4: {  	s9 =	simm.s32 $0x1C2000;
	s3 =	sand.u32 $0x10, s1;
	s1 =	sand.u32 $0x2, s2  }
0x5: {  	s17 =	simm.s32 $0x0;
	s30 =	sor.u32 s0, s3;
	s4 =	ssub.s32 $0x4, s1  }
0x6: {  	s16 =	simm.s32 $0x0;
	s3 =	sshrl.u32 s30, $0x1;
	s31 =	sshrl.u32 s4, $0x1  }
0x7: {  	s5 =	sshrl.u32 s4, $0x2;
	s2 =	sand.u32 $0x1, s31;
	s6 =	ssub.s32 $0x69, s3  }
0x8: {  	s18 =	simm.s32 $0x0;
	s5 =	sadd.s32 s5, s2;
	s6 =	sshrl.u32 s6, $0x4  }
0x9: {  	s20 =	simm.s32 $0x0;
	s10 =	simm.s32 $0x0;
	s6 =	smul.u32 s6, s5  }
.Ltmp0:
0xa: {  	s12 =	simm.s32 $0x0;
	s4 =	rddreg [dreg:$0x1];
	(pc) =	sbr.rel .LBB1_1-.Ltmp0, $4  }
0xb: {  	s13 =	simm.s32 $0x0;
	s15 =	simm.s32 $0x0;
	s2 =	rddreg [dreg:$0x2]  }
0xc: {  	_ =	strace $0x80000048;
	s5 =	simm.s32 $0x1;
	s6 =	smul.u32 $0x5, s6  }
0xd: {  	s7 =	sadd.s32 $0xC02C00, s7;
	s14 =	smov.u32 s1;
	[sflag:s5] =	ssyncpa.u1 $0x0  }
0xe: {  	s11 =	smov.u32 s3;
	[sflag:s8] =	ssyncpa.u1 $0x0;
	s8 =	sadd.s32 $0x1, s6  }
.LBB1_9:
0xf: {  	s21 =	sadd.s32 $0x20, s10  }
0x10: {  	s16 =	sadd.s32 $0x10, s11;
	s22 =	smov.u32 s11;
	p2 =	sgt.s32 s21, $0x9F  }
0x11: {  	s22 =	smov.u32 @p2 s16  }
0x12: {  	s23 =	smov.u32 s12;
	s16 =	sadd.s32 $0x80, s12;
	p3 =	sgt.s32 s22, $0x59  }
0x13: {  	s23 =	smov.u32 @p3 s16  }
0x14: {  	s24 =	smov.u32 s13;
	s16 =	sadd.s32 $0x2, s13;
	p4 =	sgt.s32 s23, $0x7F  }
0x15: {  	p1 =	slt.u32 s15, $0x2;
	s25 =	smov.u32 s14;
	s24 =	smov.u32 @p4 s16  }
0x16: {  	s19 =	smov.u32 s10;
	s16 =	sadd.s32 $0x4, s14;
	p5 =	sgt.s32 s24, $0x1  }
0x17: {  	s17 =	smov.u32 s11;
	s18 =	smov.u32 s13;
	s25 =	smov.u32 @p5 s16  }
0x18: {  	s20 =	smov.u32 s14;
	s21 =	simm.s32 @p2 $0x0;
	p2 =	sgt.s32 s25, $0x3  }
0x19: {  	s26 =	simm.s32 @!p1 $0x2;
	s25 =	smov.u32 @p2 s1;
	p2 =	sne.s32 s15, s8  }
.Ltmp1:
0x1a: {  	p0 =	por !p0, !p0;
	_ =	swait.ge @!p1 [sflag:s26], $0x4000;
	(pc) =	sbr.rel @!p2 .LBB1_10-.Ltmp1, $4  }
0x1b: {  	[sflag:s26] =	ssyncset.done @!p1 $0x0;
	s10 =	smov.u32 s21;
	s22 =	smov.u32 @p3 s3  }
0x1c: {  	[sflag:s26] =	ssyncadd.s32 @!p1 $0xFFFFC000;
	s11 =	smov.u32 s22;
	s23 =	simm.s32 @p4 $0x0  }
0x1d: {  	s24 =	simm.s32 @p5 $0x0;
	s16 =	smov.u32 s12;
	s12 =	smov.u32 s23  }
0x1e: {  	s13 =	smov.u32 s24;
	s15 =	sadd.s32 $0x1, s15;
	s14 =	smov.u32 s25  }
.LBB1_1:
0x1f: {  	p1 =	sge.u32 s15, s6  }
0x20: {  	s21 =	sshll.u32 @!p1 s11, $0x8;
	s22 =	sshll.u32 @!p1 s10, $0x3  }
0x21: {  	s23 =	sshll.u32 @!p1 s11, $0x7;
	s21 =	sand.u32 @!p1 $0xFFFFF800, s21;
	s22 =	sand.u32 @!p1 $0xFFFFFC00, s22  }
0x22: {  	s21 =	sadd.s32 @!p1 s21, s22;
	s22 =	sand.u32 @!p1 $0x300, s23  }
0x23: {  	s21 =	sor.u32 @!p1 s22, s21  }
0x24: {  	s25 =	smul.u32 @!p1 $0xC0000, s14;
	s21 =	sshrl.u32 @!p1 s21, $0x8  }
0x25: {  	s31 =	sadd.s32 $0xFFFFFFFF, s15;
	s22 =	smulhi.u32 @!p1 $0x2AAAAAB, s21  }
0x26: {  	s24 =	sxor.u32 @!p1 $0xFFFFFFFF, s15;
	s26 =	sand.u32 @!p1 $0x78, s10;
	s27 =	smul.u32 @!p1 $0x60000, s13  }
0x27: {  	s24 =	sshll.u32 @!p1 s24, $0xE;
	s23 =	sand.u32 @!p1 $0x80, s23;
	s22 =	smul.u32 @!p1 $0x60, s22  }
0x28: {  	s25 =	sadd.s32 @!p1 s7, s25;
	s23 =	sor.u32 @!p1 s26, s23;
	s26 =	smul.u32 @!p1 $0xC00, s12  }
0x29: {  	s21 =	ssub.s32 @!p1 s21, s22;
	s22 =	sand.u32 @!p1 $0x4000, s24;
	s24 =	sadd.s32 @!p1 s27, s25  }
0x2a: {  	s23 =	sshrl.u32 @!p1 s23, $0x3;
	s25 =	sand.u32 @!p1 $0x7, s10;
	s24 =	sadd.s32 @!p1 s26, s24  }
0x2b: {  	s21 =	sshll.u32 @!p1 s21, $0x5;
	s23 =	sadd.s32 @!p1 s23, s24;
	s24 =	sshll.u32 @!p1 s25, $0x12  }
0x2c: {  	s21 =	sadd.s32 @!p1 s21, s23;
	s23 =	sor.u32 @!p1 $0x20, s24;
	s24 =	simm.s32 @!p1 $0x6000  }
0x2d: {  	[tilespmem:s22], [sflag:$0x1] =	stream.strided.gather @!p1 [hbm4b:s21+s23], $0x4000, s24, s23, $0x38;
	[tilespmem:$0x10100] =	vst v63  }
0x2e: {  	p1 =	sge.u32 s31, s6  }
.Ltmp2:
0x2f: {  	_ = 	snop;
	(pc) =	sbr.rel @p1 .LBB1_9-.Ltmp2, $1  }
0x30: {  	_ =	sdelay $0x3  }
0x31: {  	s21 =	simm.s32 $0x1;
	s23 =	sand.u32 $0x1, s15  }
0x32: {  	_ =	swait.ge [sflag:s5], $0x4000;
	s21 =	simm.s32 @!p0 $0x0;
	s23 =	smul.u32 $0x10200, s23  }
0x33: {  	p2 =	por $0x1, $0x1;
	[sflag:s5] =	ssyncset.done $0x0;
	s22 =	smul.u32 $0x10200, s21  }
0x34: {  	s24 =	sshll.u32 s21, $0x10;
	[sflag:s5] =	ssyncadd.s32 $0xFFFFC000;
	s30 =	sshrl.u32 s23, $0x2  }
0x35: {  	s31 =	sshrl.u32 s24, $0x2;
	s24 =	simm.s32 $0x0;
	s22 =	sshrl.u32 s22, $0x2  }
0x36: {  	s21 =	sor.u32 $0x8000, s30;
	s23 =	sadd.s32 $0x10, s31;
	s22 =	sor.u32 $0x8000, s22  }
.LBB1_3:
0x37: {  	s25 =	smul.u32 $0x8100, s24  }
0x38: {  	s26 =	sshll.u32 s24, $0xD;
	p1 =	por p2, p2  }
0x39: {  	p3 =	por $0x1, $0x1;
	s31 =	sand.u32 $0x3FFFE000, s26;
	s25 =	sshra.s32 s25, $0x2  }
0x3a: {  	s26 =	simm.s32 $0x0;
	s24 =	sadd.s32 s25, s22;
	s25 =	sadd.s32 s31, s23  }
.LBB1_4:
0x3b: {  	s27 =	sshll.u32 s26, $0xC  }
0x3c: {  	s27 =	sand.u32 $0x3FFFF000, s27  }
0x3d: {  	s28 =	sadd.s32 s27, s25  }
0x3e: {  	s31 =	smul.u32 $0x4080, s26;
	v1 =	vld [tilespmem:s28+$0x0]  }
0x3f: {  	v0 =	vld [tilespmem:s28+$0xFFFFFFF0]  }
0x40: {  	s26 =	sshra.s32 s31, $0x2  }
0x41: {  	s26 =	sadd.s32 s26, s24  }
0x42: {  	s29 =	sadd.s32 $0x0, s26  }
0x43: {  	p2 =	por p3, p3;
	s27 =	simm.s32 $0x4;
	s28 =	sadd.s32 $0x20, s28;
	[tilespmem:s29+$0x810 ss:$0x81] =	vst.msk $0xffff, v1  }
.LBB1_5:
0x44: {  	v1 =	vld [tilespmem:s28+$0x0];
	p3 =	sne.s32 s27, $0x1FC;
	[tilespmem:s29+$0x0 ss:$0x81] =	vst.msk $0xffff, v0;
	s29 =	smov.u32 s27;
	s27 =	sadd.s32 $0x4, s27  }
.Ltmp3:
0x45: {  	v0 =	vld [tilespmem:s28+$0xFFFFFFF0];
	(pc) =	sbr.rel @p3 .LBB1_5-.Ltmp3, $4  }
0x46: {  	_ = 	snop  }
0x47: {  	s29 =	sshra.s32 s29, $0x2  }
0x48: {  	s29 =	sadd.s32 s29, s26  }
0x49: {  	s28 =	sadd.s32 $0x20, s28;
	[tilespmem:s29+$0x810 ss:$0x81] =	vst.msk $0xffff, v1  }
.Ltmp4:
0x4a: {  	(pc) =	sbr.rel @p2 .LBB1_4-.Ltmp4, $2  }
0x4b: {  	_ =	sdelay $0x2  }
0x4c: {  	[tilespmem:s29+$0x0 ss:$0x81] =	vst.msk $0xffff, v0;
	s26 =	simm.s32 $0x1;
	p3 =	por $0x0, $0x0  }
.Ltmp5:
0x4d: {  	(pc) =	sbr.rel @p1 .LBB1_3-.Ltmp5, $2  }
0x4e: {  	_ =	sdelay $0x2  }
0x4f: {  	s24 =	simm.s32 $0x1;
	p2 =	por $0x0, $0x0  }
0x50: {  	s19 =	sshll.u32 s19, $0x7;
	s22 =	sshll.u32 s16, $0x3  }
0x51: {  	s23 =	sand.u32 $0xFFFFFC00, s19;
	s22 =	sand.u32 $0xFFFFFC00, s22  }
0x52: {  	s19 =	sand.u32 $0x380, s19;
	s22 =	sadd.s32 s22, s23  }
0x53: {  	s20 =	smul.u32 $0x70800, s20;
	s19 =	sor.u32 s19, s22  }
0x54: {  	s18 =	smul.u32 $0x38400, s18;
	s19 =	sshrl.u32 s19, $0x7  }
0x55: {  	s27 =	smulhi.u32 $0x199999A, s19  }
0x56: {  	s17 =	smul.u32 $0xA00, s17  }
0x57: {  	s28 =	sshrl.u32 s16, $0x3;
	s20 =	sadd.s32 s4, s20;
	s22 =	smul.u32 $0xA0, s27  }
.Ltmp6:
0x58: {  	s30 =	sand.u32 $0x7, s16;
	s18 =	sadd.s32 s18, s20;
	(pc) =	sbr.rel .LBB1_9-.Ltmp6, $4  }
0x59: {  	s29 =	sand.u32 $0xF, s28;
	s17 =	sadd.s32 s17, s18;
	s19 =	ssub.s32 s19, s22  }
0x5a: {  	s16 =	sshll.u32 s30, $0x12;
	s17 =	sadd.s32 s29, s17;
	s31 =	sshll.u32 s19, $0x4  }
0x5b: {  	s16 =	sor.u32 $0x1000, s16;
	s17 =	sadd.s32 s31, s17  }
0x5c: {  	[hbm4b:s17+s16] =	stream.strided.scatter [tilespmem:s21], [sflag:$0x2], $0x4000, s9, s16, $0x20;
	[tilespmem:$0x10100] =	vst v63  }
.LBB1_10:
0x5d: {  	_ =	sfence.sel $0x180000  }
0x5e: {  	s1 =	simm.s32 $0x1;
	[bflag:$0x0] =	sbarrier.arrive $0xFFFF  }
0x5f: {  	s31 =	simm.s32 $0x2;
	[sflag:s1] =	ssyncpa.u1 $0x1  }
0x60: {  	[sflag:s31] =	ssyncpa.u1 $0x1  }
0x61: {  	p0 =	sne.s32 s0, $0x0;
	_ =	strace $0x90000048  }
0x62: {  	s0 =	sadd.s32 @!p0 $0x100000, s2;
	[bflag:$0x2] =	sbarrier.arrive $0xFFFF  }
0x63: {  	[sflag:s0] =	ssyncadd.tile.s32 @!p0 $0x1;
	_ =	shalt  }
.Lfunc_end1:
_tile_overlayer_lowered:
.L_overlay_start_2:
0x64: {  	(tag) =	ssettag $0x2  }
0x65: {  	s0 =	rddreg [dreg:$0x0];
	s2 =	stileid.u32  }
0x66: {  	s1 =	rddreg [dreg:$0x1];
	p0 =	sne.s32 s2, $0x0  }
0x67: {  	s3 =	rddreg [dreg:$0x2];
	[bflag:$0x3] =	sbarrier.arrive $0xFFFF;
	s2 =	simm.s32 @!p0 $0x1C01  }
0x68: {  	[timem:s3], [sflag:s2] =	dma.local @!p0 [hbm:s0], s1  }
0x69: {  	s0 =	simm.s32 @!p0 $0x1  }
0x6a: {  	_ =	swait.ge @!p0 [sflag:s0], s1  }
0x6b: {  	s1 =	ssub.s32 @!p0 $0x0, s1;
	[sflag:s0] =	ssyncset.done @!p0 $0x0  }
0x6c: {  	[sflag:s0] =	ssyncadd.s32 @!p0 s1  }
0x6d: {  	[bflag:$0x3] =	sbarrier.arrive $0xFFFF  }
0x6e: {  	_ =	shalt  }

</sc_bundles>
